<compile_context>
chip_gen: v7x
topology: tpu7x:2x2x1
jax: 0.10.2.dev20260603
libtpu: 0.0.44.dev20260713+nightly
codegen_flags: <defaults>
</compile_context>

<pallas_src>
import functools

import jax
import jax.numpy as jnp
from jax import lax
from jax.experimental import pallas as pl
from jax.experimental.pallas import tpu as pltpu
from jax.experimental.pallas import tpu_sc as plsc

B = 4096
F = 26
V = 100000
D = 32
NUM = 13
H1 = 512
H2 = 256
OUT = 100
EPS = 1e-5
NUMP = 128

_NC, _NS = 2, 16
_NW = _NC * _NS
_BT = B * F
_BPW = _BT // _NW

@functools.cache
def _make_sc_gather():
    mesh = plsc.VectorSubcoreMesh(
        core_axis_name="c", subcore_axis_name="s")

    @functools.partial(
        pl.kernel,
        mesh=mesh,
        out_type=jax.ShapeDtypeStruct((_BT, D), jnp.bfloat16),
        compiler_params=pltpu.CompilerParams(use_tc_tiling_on_sc=False),
        scratch_types=[
            pltpu.VMEM((_BPW,), jnp.int32),
            pltpu.VMEM((_BPW, D), jnp.bfloat16),
            pltpu.SemaphoreType.DMA,
        ],
    )
    def _sc_gather(table_hbm, idx_hbm, out_hbm, idx_v, rows_v, sem):
        wid = lax.axis_index("s") * _NC + lax.axis_index("c")
        base = wid * _BPW
        pltpu.sync_copy(idx_hbm.at[pl.ds(base, _BPW)], idx_v)
        pltpu.async_copy(table_hbm.at[idx_v], rows_v, sem).wait()
        pltpu.sync_copy(rows_v, out_hbm.at[pl.ds(base, _BPW)])

    return _sc_gather


def _mlp_body(emb_ref, xn_ref, gn_ref, bn_ref, w1a_ref, w1b_ref, b1_ref,
              g1_ref, be1_ref, w2_ref, b2_ref, g2_ref, be2_ref,
              w3_ref, b3_ref, out_ref):
    xn = xn_ref[...]
    m = jnp.mean(xn, axis=0, keepdims=True)
    v = jnp.mean((xn - m) * (xn - m), axis=0, keepdims=True)
    xn = gn_ref[...] * (xn - m) * lax.rsqrt(v + EPS) + bn_ref[...]

    h = jnp.dot(emb_ref[...].astype(jnp.float32), w1a_ref[...],
                preferred_element_type=jnp.float32)
    h = h + jnp.dot(xn, w1b_ref[...], preferred_element_type=jnp.float32)
    h = jnp.maximum(h + b1_ref[...], 0.0)
    m1 = jnp.mean(h, axis=0, keepdims=True)
    v1 = jnp.mean((h - m1) * (h - m1), axis=0, keepdims=True)
    h = g1_ref[...] * (h - m1) * lax.rsqrt(v1 + EPS) + be1_ref[...]

    h2 = jnp.dot(h, w2_ref[...], preferred_element_type=jnp.float32)
    h2 = jnp.maximum(h2 + b2_ref[...], 0.0)
    m2 = jnp.mean(h2, axis=0, keepdims=True)
    v2 = jnp.mean((h2 - m2) * (h2 - m2), axis=0, keepdims=True)
    h2 = g2_ref[...] * (h2 - m2) * lax.rsqrt(v2 + EPS) + be2_ref[...]

    out_ref[...] = (
        jnp.dot(h2, w3_ref[...], preferred_element_type=jnp.float32)
        + b3_ref[...]
    )


def kernel(x_categorical, x_numerical, emb_tables, bn_num_g, bn_num_b,
           W1, b1, g1, be1, W2, b2, g2, be2, W3, b3):
    offs = (jnp.arange(F, dtype=jnp.int32) * V)[None, :]
    idx = (x_categorical.astype(jnp.int32) + offs).reshape(_BT)
    table = emb_tables.astype(jnp.bfloat16).reshape(F * V, D)
    emb = _make_sc_gather()(table, idx).reshape(B, F * D)

    xn = jnp.pad(x_numerical, ((0, 0), (0, NUMP - NUM)))
    gn = jnp.pad(bn_num_g, (0, NUMP - NUM)).reshape(1, NUMP)
    bn = jnp.pad(bn_num_b, (0, NUMP - NUM)).reshape(1, NUMP)
    w1a = W1[:, :F * D].T
    w1b = jnp.pad(W1[:, F * D:], ((0, 0), (0, NUMP - NUM))).T

    return pl.pallas_call(
        _mlp_body,
        out_shape=jax.ShapeDtypeStruct((B, OUT), jnp.float32),
    )(emb, xn, gn, bn, w1a, w1b, b1.reshape(1, H1),
      g1.reshape(1, H1), be1.reshape(1, H1), W2.T, b2.reshape(1, H2),
      g2.reshape(1, H2), be2.reshape(1, H2), W3.T, b3.reshape(1, OUT))

# --- scband reference (transcript-rebuilt; emitter-appended) ---
"""Pipeline reference for scband-model-12094627905536 (READ-ONLY COPY).

The authoritative reference and input builder live on the scoring server;
editing this copy changes nothing except your own understanding.
"""

import jax, jax.numpy as jnp
import numpy as np

B = 4096
F = 26
V = 100000
D = 32
NUM = 13
H1 = 512
H2 = 256
OUT = 100
EPS = 1e-5


def _batchnorm(x, g, b):
    m = jnp.mean(x, axis=0)
    v = jnp.var(x, axis=0)
    return g * (x - m) / jnp.sqrt(v + EPS) + b


def setup_inputs(seed: int = 0) -> dict:
    key = jax.random.key(seed)
    ks = jax.random.split(key, 12)
    d_in = F * D + NUM
    x_categorical = jax.random.randint(ks[0], (B, F), 0, V, dtype=jnp.int64 if jax.config.jax_enable_x64 else jnp.int32)
    x_numerical = jax.random.normal(ks[1], (B, NUM), dtype=jnp.float32)
    emb_tables = jax.random.normal(ks[2], (F, V, D), dtype=jnp.float32) * 0.02
    bn_num_g = jnp.ones((NUM,), dtype=jnp.float32)
    bn_num_b = jnp.zeros((NUM,), dtype=jnp.float32)
    W1 = jax.random.normal(ks[3], (H1, d_in), dtype=jnp.float32) * (1.0 / np.sqrt(d_in))
    b1 = jnp.zeros((H1,), dtype=jnp.float32)
    g1 = jnp.ones((H1,), dtype=jnp.float32)
    be1 = jnp.zeros((H1,), dtype=jnp.float32)
    W2 = jax.random.normal(ks[4], (H2, H1), dtype=jnp.float32) * (1.0 / np.sqrt(H1))
    b2 = jnp.zeros((H2,), dtype=jnp.float32)
    g2 = jnp.ones((H2,), dtype=jnp.float32)
    be2 = jnp.zeros((H2,), dtype=jnp.float32)
    W3 = jax.random.normal(ks[5], (OUT, H2), dtype=jnp.float32) * (1.0 / np.sqrt(H2))
    b3 = jnp.zeros((OUT,), dtype=jnp.float32)
    return {
        "x_categorical": x_categorical,
        "x_numerical": x_numerical,
        "emb_tables": emb_tables,
        "bn_num_g": bn_num_g,
        "bn_num_b": bn_num_b,
        "W1": W1, "b1": b1, "g1": g1, "be1": be1,
        "W2": W2, "b2": b2, "g2": g2, "be2": be2,
        "W3": W3, "b3": b3,
    }


def reference(x_categorical, x_numerical, emb_tables, bn_num_g, bn_num_b,
              W1, b1, g1, be1, W2, b2, g2, be2, W3, b3):
    # per-field embedding lookup: emb_tables[d][x_categorical[:, d]] for each field d
    field_idx = jnp.arange(F)
    emb = emb_tables[field_idx[None, :], x_categorical]  # [B, F, D]
    emb = emb.reshape(B, F * D)
    # dropout is identity in eval mode
    x_num = _batchnorm(x_numerical, bn_num_g, bn_num_b)
    x = jnp.concatenate([emb, x_num], axis=1)
    # layer 1: Linear -> ReLU -> BatchNorm1d -> (Dropout identity)
    x = x @ W1.T + b1
    x = jax.nn.relu(x)
    x = _batchnorm(x, g1, be1)
    # layer 2
    x = x @ W2.T + b2
    x = jax.nn.relu(x)
    x = _batchnorm(x, g2, be2)
    # output
    x = x @ W3.T + b3
    return x

if __name__ == "__main__":
    import jax
    _d = setup_inputs()
    print(jax.jit(kernel)(*tuple(_d.values())))

</pallas_src>

<mosaic_0001>
#map = affine_map<(d0, d1) -> (0, 0)>
#map1 = affine_map<(d0, d1) -> (0)>
module attributes {stable_mosaic.version = 14 : i64} {
  func.func @_sc_gather(%arg0: i32, %arg1: i32, %arg2: memref<2600000x32xbf16, #tpu.memory_space<hbm>>, %arg3: memref<106496xi32, #tpu.memory_space<hbm>>, %arg4: memref<106496x32xbf16, #tpu.memory_space<hbm>>, %arg5: memref<3328xi32, #tpu.memory_space<vmem>>, %arg6: memref<3328x32xbf16, #tpu.memory_space<vmem>>, %arg7: memref<!tpu.dma_semaphore, #tpu.memory_space<semaphore_mem>>) attributes {dimension_semantics = [#tpu.dimension_semantics<core_parallel>, #tpu.dimension_semantics<subcore_parallel>], iteration_bounds = array<i64: 2, 16>, scalar_prefetch = 0 : i64, scratch_operands = 3 : i64, tpu.core_type = #tpu.core_type<sc_vector_subcore>, window_params = [{transform_indices = #map}, {transform_indices = #map1}, {transform_indices = #map}]} {
    %mul3A = arith.constant 2 : i32
    %mul3A_0 = arith.muli %arg1, %mul3A : i32
    %add3A = arith.addi %mul3A_0, %arg0 : i32
    %mul3A_1 = arith.constant 3328 : i32
    %mul3A_2 = arith.muli %add3A, %mul3A_1 : i32
    "tpu.region"() ({
      %run_scoped3A = tpu.sem_alloc : memref<!tpu.dma_semaphore, #tpu.memory_space<semaphore_mem>>
      %dma_start3A_7 = tpu.memref_slice %arg3[%mul3A_2] : memref<106496xi32, #tpu.memory_space<hbm>> -> memref<3328xi32, #tpu.memory_space<hbm>>
      %dma_start3A_8 = tpu.memref_slice %arg3[%mul3A_2] : memref<106496xi32, #tpu.memory_space<hbm>> -> memref<3328xi32, #tpu.memory_space<hbm>>
      tpu.enqueue_dma source(%dma_start3A_8 : memref<3328xi32, #tpu.memory_space<hbm>>) target(%arg5 : memref<3328xi32, #tpu.memory_space<vmem>>) target_semaphore(%run_scoped3A : memref<!tpu.dma_semaphore, #tpu.memory_space<semaphore_mem>>)
      %dma_wait3A_9 = tpu.memref_slice %arg3[%mul3A_2] : memref<106496xi32, #tpu.memory_space<hbm>> -> memref<3328xi32, #tpu.memory_space<hbm>>
      %dma_wait3A_10 = tpu.memref_slice %arg3[%mul3A_2] : memref<106496xi32, #tpu.memory_space<hbm>> -> memref<3328xi32, #tpu.memory_space<hbm>>
      tpu.wait_dma2 semaphore(%run_scoped3A : memref<!tpu.dma_semaphore, #tpu.memory_space<semaphore_mem>>) src(%dma_wait3A_10 : memref<3328xi32, #tpu.memory_space<hbm>>) dst(%arg5 : memref<3328xi32, #tpu.memory_space<vmem>>)
      tpu.yield
    }) : () -> ()
    %dma_start3A = arith.constant 0 : i32
    %dma_start3A_3 = arith.constant 0 : i32
    %dma_start3A_4 = tpu.memref_slice %arg2[%dma_start3A, %dma_start3A_3] : memref<2600000x32xbf16, #tpu.memory_space<hbm>> -> memref<2600000x32xbf16, #tpu.memory_space<hbm>>
    tpu.enqueue_indirect_dma source(%dma_start3A_4 : memref<2600000x32xbf16, #tpu.memory_space<hbm>>) target(%arg6 : memref<3328x32xbf16, #tpu.memory_space<vmem>>) offsets(%arg5 : memref<3328xi32, #tpu.memory_space<vmem>>) semaphore(%arg7 : memref<!tpu.dma_semaphore, #tpu.memory_space<semaphore_mem>>)
    %dma_wait3A = arith.constant 0 : i32
    %dma_wait3A_5 = arith.constant 0 : i32
    %dma_wait3A_6 = tpu.memref_slice %arg2[%dma_wait3A, %dma_wait3A_5] : memref<2600000x32xbf16, #tpu.memory_space<hbm>> -> memref<2600000x32xbf16, #tpu.memory_space<hbm>>
    tpu.wait_indirect_dma semaphore(%arg7 : memref<!tpu.dma_semaphore, #tpu.memory_space<semaphore_mem>>) src(%dma_wait3A_6 : memref<2600000x32xbf16, #tpu.memory_space<hbm>>) dst(%arg6 : memref<3328x32xbf16, #tpu.memory_space<vmem>>)
    "tpu.region"() ({
      %run_scoped3A = tpu.sem_alloc : memref<!tpu.dma_semaphore, #tpu.memory_space<semaphore_mem>>
      %dma_start3A_7 = arith.constant 0 : i32
      %dma_start3A_8 = tpu.memref_slice %arg4[%mul3A_2, %dma_start3A_7] : memref<106496x32xbf16, #tpu.memory_space<hbm>> -> memref<3328x32xbf16, #tpu.memory_space<hbm>>
      %dma_start3A_9 = arith.constant 0 : i32
      %dma_start3A_10 = tpu.memref_slice %arg4[%mul3A_2, %dma_start3A_9] : memref<106496x32xbf16, #tpu.memory_space<hbm>> -> memref<3328x32xbf16, #tpu.memory_space<hbm>>
      tpu.enqueue_dma source(%arg6 : memref<3328x32xbf16, #tpu.memory_space<vmem>>) target(%dma_start3A_10 : memref<3328x32xbf16, #tpu.memory_space<hbm>>) target_semaphore(%run_scoped3A : memref<!tpu.dma_semaphore, #tpu.memory_space<semaphore_mem>>)
      %dma_wait3A_11 = arith.constant 0 : i32
      %dma_wait3A_12 = tpu.memref_slice %arg4[%mul3A_2, %dma_wait3A_11] : memref<106496x32xbf16, #tpu.memory_space<hbm>> -> memref<3328x32xbf16, #tpu.memory_space<hbm>>
      %dma_wait3A_13 = arith.constant 0 : i32
      %dma_wait3A_14 = tpu.memref_slice %arg4[%mul3A_2, %dma_wait3A_13] : memref<106496x32xbf16, #tpu.memory_space<hbm>> -> memref<3328x32xbf16, #tpu.memory_space<hbm>>
      tpu.wait_dma2 semaphore(%run_scoped3A : memref<!tpu.dma_semaphore, #tpu.memory_space<semaphore_mem>>) src(%arg6 : memref<3328x32xbf16, #tpu.memory_space<vmem>>) dst(%dma_wait3A_14 : memref<3328x32xbf16, #tpu.memory_space<hbm>>)
      tpu.yield
    }) : () -> ()
    return
  }
}

module attributes {stable_mosaic.version = 14 : i64} {
  func.func @_mlp_body(%arg0: memref<4096x832xbf16, #tpu.memory_space<vmem>>, %arg1: memref<4096x128xf32, #tpu.memory_space<vmem>>, %arg2: memref<1x128xf32, #tpu.memory_space<vmem>>, %arg3: memref<1x128xf32, #tpu.memory_space<vmem>>, %arg4: memref<832x512xf32, #tpu.memory_space<vmem>>, %arg5: memref<128x512xf32, #tpu.memory_space<vmem>>, %arg6: memref<1x512xf32, #tpu.memory_space<vmem>>, %arg7: memref<1x512xf32, #tpu.memory_space<vmem>>, %arg8: memref<1x512xf32, #tpu.memory_space<vmem>>, %arg9: memref<512x256xf32, #tpu.memory_space<vmem>>, %arg10: memref<1x256xf32, #tpu.memory_space<vmem>>, %arg11: memref<1x256xf32, #tpu.memory_space<vmem>>, %arg12: memref<1x256xf32, #tpu.memory_space<vmem>>, %arg13: memref<256x100xf32, #tpu.memory_space<vmem>>, %arg14: memref<1x100xf32, #tpu.memory_space<vmem>>, %arg15: memref<4096x100xf32, #tpu.memory_space<vmem>>) attributes {dimension_semantics = [], scalar_prefetch = 0 : i64, scratch_operands = 0 : i64, tpu.core_type = #tpu.core_type<tc>} {
    %get3A = arith.constant 0 : index
    %get3A_0 = arith.constant 0 : index
    %get3A_1 = vector.load %arg1[%get3A, %get3A_0] : memref<4096x128xf32, #tpu.memory_space<vmem>>, vector<4096x128xf32>
    %reduce_sum3A = arith.constant dense<0.000000e+00> : vector<128xf32>
    %reduce_sum3A_2 = vector.multi_reduction <add>, %get3A_1, %reduce_sum3A [0] : vector<4096x128xf32> to vector<128xf32>
    %broadcast_in_dim3A = vector.shape_cast %reduce_sum3A_2 : vector<128xf32> to vector<1x128xf32>
    %div3A = arith.constant 4.096000e+03 : f32
    %div3A_3 = vector.broadcast %div3A : f32 to vector<1x128xf32>
    %div3A_4 = arith.divf %broadcast_in_dim3A, %div3A_3 : vector<1x128xf32>
    %sub3A = vector.broadcast %div3A_4 : vector<1x128xf32> to vector<4096x128xf32>
    %sub3A_5 = arith.subf %get3A_1, %sub3A : vector<4096x128xf32>
    %sub3A_6 = vector.broadcast %div3A_4 : vector<1x128xf32> to vector<4096x128xf32>
    %sub3A_7 = arith.subf %get3A_1, %sub3A_6 : vector<4096x128xf32>
    %mul3A = arith.mulf %sub3A_5, %sub3A_7 : vector<4096x128xf32>
    %reduce_sum3A_8 = arith.constant dense<0.000000e+00> : vector<128xf32>
    %reduce_sum3A_9 = vector.multi_reduction <add>, %mul3A, %reduce_sum3A_8 [0] : vector<4096x128xf32> to vector<128xf32>
    %broadcast_in_dim3A_10 = vector.shape_cast %reduce_sum3A_9 : vector<128xf32> to vector<1x128xf32>
    %div3A_11 = arith.constant 4.096000e+03 : f32
    %div3A_12 = vector.broadcast %div3A_11 : f32 to vector<1x128xf32>
    %div3A_13 = arith.divf %broadcast_in_dim3A_10, %div3A_12 : vector<1x128xf32>
    %get3A_14 = arith.constant 0 : index
    %get3A_15 = arith.constant 0 : index
    %get3A_16 = vector.load %arg2[%get3A_14, %get3A_15] : memref<1x128xf32, #tpu.memory_space<vmem>>, vector<1x128xf32>
    %sub3A_17 = vector.broadcast %div3A_4 : vector<1x128xf32> to vector<4096x128xf32>
    %sub3A_18 = arith.subf %get3A_1, %sub3A_17 : vector<4096x128xf32>
    %mul3A_19 = vector.broadcast %get3A_16 : vector<1x128xf32> to vector<4096x128xf32>
    %mul3A_20 = arith.mulf %mul3A_19, %sub3A_18 : vector<4096x128xf32>
    %add3A = arith.constant 9.99999974E-6 : f32
    %add3A_21 = vector.broadcast %add3A : f32 to vector<1x128xf32>
    %add3A_22 = arith.addf %div3A_13, %add3A_21 : vector<1x128xf32>
    %rsqrt3A = math.rsqrt %add3A_22 : vector<1x128xf32>
    %mul3A_23 = vector.broadcast %rsqrt3A : vector<1x128xf32> to vector<4096x128xf32>
    %mul3A_24 = arith.mulf %mul3A_20, %mul3A_23 : vector<4096x128xf32>
    %get3A_25 = arith.constant 0 : index
    %get3A_26 = arith.constant 0 : index
    %get3A_27 = vector.load %arg3[%get3A_25, %get3A_26] : memref<1x128xf32, #tpu.memory_space<vmem>>, vector<1x128xf32>
    %add3A_28 = vector.broadcast %get3A_27 : vector<1x128xf32> to vector<4096x128xf32>
    %add3A_29 = arith.addf %mul3A_24, %add3A_28 : vector<4096x128xf32>
    %get3A_30 = arith.constant 0 : index
    %get3A_31 = arith.constant 0 : index
    %get3A_32 = vector.load %arg0[%get3A_30, %get3A_31] : memref<4096x832xbf16, #tpu.memory_space<vmem>>, vector<4096x832xbf16>
    %convert_element_type3A = arith.extf %get3A_32 : vector<4096x832xbf16> to vector<4096x832xf32>
    %get3A_33 = arith.constant 0 : index
    %get3A_34 = arith.constant 0 : index
    %get3A_35 = vector.load %arg4[%get3A_33, %get3A_34] : memref<832x512xf32, #tpu.memory_space<vmem>>, vector<832x512xf32>
    %dot_general3A = arith.constant dense<0.000000e+00> : vector<4096x512xf32>
    %dot_general3A_36 = tpu.matmul %convert_element_type3A, %get3A_35, %dot_general3A {dimension_numbers = #tpu.dot_dimension_numbers<[1], [0], [0], [1], [0, 0, 1, 1], [], []>, transpose_lhs_hint = false} : vector<4096x832xf32>, vector<832x512xf32>, vector<4096x512xf32> -> vector<4096x512xf32>
    %get3A_37 = arith.constant 0 : index
    %get3A_38 = arith.constant 0 : index
    %get3A_39 = vector.load %arg5[%get3A_37, %get3A_38] : memref<128x512xf32, #tpu.memory_space<vmem>>, vector<128x512xf32>
    %dot_general3A_40 = arith.constant dense<0.000000e+00> : vector<4096x512xf32>
    %dot_general3A_41 = tpu.matmul %add3A_29, %get3A_39, %dot_general3A_40 {dimension_numbers = #tpu.dot_dimension_numbers<[1], [0], [0], [1], [0, 0, 1, 1], [], []>, transpose_lhs_hint = false} : vector<4096x128xf32>, vector<128x512xf32>, vector<4096x512xf32> -> vector<4096x512xf32>
    %add3A_42 = arith.addf %dot_general3A_36, %dot_general3A_41 : vector<4096x512xf32>
    %get3A_43 = arith.constant 0 : index
    %get3A_44 = arith.constant 0 : index
    %get3A_45 = vector.load %arg6[%get3A_43, %get3A_44] : memref<1x512xf32, #tpu.memory_space<vmem>>, vector<1x512xf32>
    %add3A_46 = vector.broadcast %get3A_45 : vector<1x512xf32> to vector<4096x512xf32>
    %add3A_47 = arith.addf %add3A_42, %add3A_46 : vector<4096x512xf32>
    %max3A = arith.constant 0.000000e+00 : f32
    %max3A_48 = vector.broadcast %max3A : f32 to vector<4096x512xf32>
    %max3A_49 = arith.maximumf %add3A_47, %max3A_48 : vector<4096x512xf32>
    %reduce_sum3A_50 = arith.constant dense<0.000000e+00> : vector<512xf32>
    %reduce_sum3A_51 = vector.multi_reduction <add>, %max3A_49, %reduce_sum3A_50 [0] : vector<4096x512xf32> to vector<512xf32>
    %broadcast_in_dim3A_52 = vector.shape_cast %reduce_sum3A_51 : vector<512xf32> to vector<1x512xf32>
    %div3A_53 = arith.constant 4.096000e+03 : f32
    %div3A_54 = vector.broadcast %div3A_53 : f32 to vector<1x512xf32>
    %div3A_55 = arith.divf %broadcast_in_dim3A_52, %div3A_54 : vector<1x512xf32>
    %sub3A_56 = vector.broadcast %div3A_55 : vector<1x512xf32> to vector<4096x512xf32>
    %sub3A_57 = arith.subf %max3A_49, %sub3A_56 : vector<4096x512xf32>
    %sub3A_58 = vector.broadcast %div3A_55 : vector<1x512xf32> to vector<4096x512xf32>
    %sub3A_59 = arith.subf %max3A_49, %sub3A_58 : vector<4096x512xf32>
    %mul3A_60 = arith.mulf %sub3A_57, %sub3A_59 : vector<4096x512xf32>
    %reduce_sum3A_61 = arith.constant dense<0.000000e+00> : vector<512xf32>
    %reduce_sum3A_62 = vector.multi_reduction <add>, %mul3A_60, %reduce_sum3A_61 [0] : vector<4096x512xf32> to vector<512xf32>
    %broadcast_in_dim3A_63 = vector.shape_cast %reduce_sum3A_62 : vector<512xf32> to vector<1x512xf32>
    %div3A_64 = arith.constant 4.096000e+03 : f32
    %div3A_65 = vector.broadcast %div3A_64 : f32 to vector<1x512xf32>
    %div3A_66 = arith.divf %broadcast_in_dim3A_63, %div3A_65 : vector<1x512xf32>
    %get3A_67 = arith.constant 0 : index
    %get3A_68 = arith.constant 0 : index
    %get3A_69 = vector.load %arg7[%get3A_67, %get3A_68] : memref<1x512xf32, #tpu.memory_space<vmem>>, vector<1x512xf32>
    %sub3A_70 = vector.broadcast %div3A_55 : vector<1x512xf32> to vector<4096x512xf32>
    %sub3A_71 = arith.subf %max3A_49, %sub3A_70 : vector<4096x512xf32>
    %mul3A_72 = vector.broadcast %get3A_69 : vector<1x512xf32> to vector<4096x512xf32>
    %mul3A_73 = arith.mulf %mul3A_72, %sub3A_71 : vector<4096x512xf32>
    %add3A_74 = arith.constant 9.99999974E-6 : f32
    %add3A_75 = vector.broadcast %add3A_74 : f32 to vector<1x512xf32>
    %add3A_76 = arith.addf %div3A_66, %add3A_75 : vector<1x512xf32>
    %rsqrt3A_77 = math.rsqrt %add3A_76 : vector<1x512xf32>
    %mul3A_78 = vector.broadcast %rsqrt3A_77 : vector<1x512xf32> to vector<4096x512xf32>
    %mul3A_79 = arith.mulf %mul3A_73, %mul3A_78 : vector<4096x512xf32>
    %get3A_80 = arith.constant 0 : index
    %get3A_81 = arith.constant 0 : index
    %get3A_82 = vector.load %arg8[%get3A_80, %get3A_81] : memref<1x512xf32, #tpu.memory_space<vmem>>, vector<1x512xf32>
    %add3A_83 = vector.broadcast %get3A_82 : vector<1x512xf32> to vector<4096x512xf32>
    %add3A_84 = arith.addf %mul3A_79, %add3A_83 : vector<4096x512xf32>
    %get3A_85 = arith.constant 0 : index
    %get3A_86 = arith.constant 0 : index
    %get3A_87 = vector.load %arg9[%get3A_85, %get3A_86] : memref<512x256xf32, #tpu.memory_space<vmem>>, vector<512x256xf32>
    %dot_general3A_88 = arith.constant dense<0.000000e+00> : vector<4096x256xf32>
    %dot_general3A_89 = tpu.matmul %add3A_84, %get3A_87, %dot_general3A_88 {dimension_numbers = #tpu.dot_dimension_numbers<[1], [0], [0], [1], [0, 0, 1, 1], [], []>, transpose_lhs_hint = false} : vector<4096x512xf32>, vector<512x256xf32>, vector<4096x256xf32> -> vector<4096x256xf32>
    %get3A_90 = arith.constant 0 : index
    %get3A_91 = arith.constant 0 : index
    %get3A_92 = vector.load %arg10[%get3A_90, %get3A_91] : memref<1x256xf32, #tpu.memory_space<vmem>>, vector<1x256xf32>
    %add3A_93 = vector.broadcast %get3A_92 : vector<1x256xf32> to vector<4096x256xf32>
    %add3A_94 = arith.addf %dot_general3A_89, %add3A_93 : vector<4096x256xf32>
    %max3A_95 = arith.constant 0.000000e+00 : f32
    %max3A_96 = vector.broadcast %max3A_95 : f32 to vector<4096x256xf32>
    %max3A_97 = arith.maximumf %add3A_94, %max3A_96 : vector<4096x256xf32>
    %reduce_sum3A_98 = arith.constant dense<0.000000e+00> : vector<256xf32>
    %reduce_sum3A_99 = vector.multi_reduction <add>, %max3A_97, %reduce_sum3A_98 [0] : vector<4096x256xf32> to vector<256xf32>
    %broadcast_in_dim3A_100 = vector.shape_cast %reduce_sum3A_99 : vector<256xf32> to vector<1x256xf32>
    %div3A_101 = arith.constant 4.096000e+03 : f32
    %div3A_102 = vector.broadcast %div3A_101 : f32 to vector<1x256xf32>
    %div3A_103 = arith.divf %broadcast_in_dim3A_100, %div3A_102 : vector<1x256xf32>
    %sub3A_104 = vector.broadcast %div3A_103 : vector<1x256xf32> to vector<4096x256xf32>
    %sub3A_105 = arith.subf %max3A_97, %sub3A_104 : vector<4096x256xf32>
    %sub3A_106 = vector.broadcast %div3A_103 : vector<1x256xf32> to vector<4096x256xf32>
    %sub3A_107 = arith.subf %max3A_97, %sub3A_106 : vector<4096x256xf32>
    %mul3A_108 = arith.mulf %sub3A_105, %sub3A_107 : vector<4096x256xf32>
    %reduce_sum3A_109 = arith.constant dense<0.000000e+00> : vector<256xf32>
    %reduce_sum3A_110 = vector.multi_reduction <add>, %mul3A_108, %reduce_sum3A_109 [0] : vector<4096x256xf32> to vector<256xf32>
    %broadcast_in_dim3A_111 = vector.shape_cast %reduce_sum3A_110 : vector<256xf32> to vector<1x256xf32>
    %div3A_112 = arith.constant 4.096000e+03 : f32
    %div3A_113 = vector.broadcast %div3A_112 : f32 to vector<1x256xf32>
    %div3A_114 = arith.divf %broadcast_in_dim3A_111, %div3A_113 : vector<1x256xf32>
    %get3A_115 = arith.constant 0 : index
    %get3A_116 = arith.constant 0 : index
    %get3A_117 = vector.load %arg11[%get3A_115, %get3A_116] : memref<1x256xf32, #tpu.memory_space<vmem>>, vector<1x256xf32>
    %sub3A_118 = vector.broadcast %div3A_103 : vector<1x256xf32> to vector<4096x256xf32>
    %sub3A_119 = arith.subf %max3A_97, %sub3A_118 : vector<4096x256xf32>
    %mul3A_120 = vector.broadcast %get3A_117 : vector<1x256xf32> to vector<4096x256xf32>
    %mul3A_121 = arith.mulf %mul3A_120, %sub3A_119 : vector<4096x256xf32>
    %add3A_122 = arith.constant 9.99999974E-6 : f32
    %add3A_123 = vector.broadcast %add3A_122 : f32 to vector<1x256xf32>
    %add3A_124 = arith.addf %div3A_114, %add3A_123 : vector<1x256xf32>
    %rsqrt3A_125 = math.rsqrt %add3A_124 : vector<1x256xf32>
    %mul3A_126 = vector.broadcast %rsqrt3A_125 : vector<1x256xf32> to vector<4096x256xf32>
    %mul3A_127 = arith.mulf %mul3A_121, %mul3A_126 : vector<4096x256xf32>
    %get3A_128 = arith.constant 0 : index
    %get3A_129 = arith.constant 0 : index
    %get3A_130 = vector.load %arg12[%get3A_128, %get3A_129] : memref<1x256xf32, #tpu.memory_space<vmem>>, vector<1x256xf32>
    %add3A_131 = vector.broadcast %get3A_130 : vector<1x256xf32> to vector<4096x256xf32>
    %add3A_132 = arith.addf %mul3A_127, %add3A_131 : vector<4096x256xf32>
    %get3A_133 = arith.constant 0 : index
    %get3A_134 = arith.constant 0 : index
    %get3A_135 = vector.load %arg13[%get3A_133, %get3A_134] : memref<256x100xf32, #tpu.memory_space<vmem>>, vector<256x100xf32>
    %dot_general3A_136 = arith.constant dense<0.000000e+00> : vector<4096x100xf32>
    %dot_general3A_137 = tpu.matmul %add3A_132, %get3A_135, %dot_general3A_136 {dimension_numbers = #tpu.dot_dimension_numbers<[1], [0], [0], [1], [0, 0, 1, 1], [], []>, transpose_lhs_hint = false} : vector<4096x256xf32>, vector<256x100xf32>, vector<4096x100xf32> -> vector<4096x100xf32>
    %get3A_138 = arith.constant 0 : index
    %get3A_139 = arith.constant 0 : index
    %get3A_140 = vector.load %arg14[%get3A_138, %get3A_139] : memref<1x100xf32, #tpu.memory_space<vmem>>, vector<1x100xf32>
    %add3A_141 = vector.broadcast %get3A_140 : vector<1x100xf32> to vector<4096x100xf32>
    %add3A_142 = arith.addf %dot_general3A_137, %add3A_141 : vector<4096x100xf32>
    %swap3A = arith.constant 0 : index
    %swap3A_143 = arith.constant 0 : index
    %swap3A_144 = vector.load %arg15[%swap3A, %swap3A_143] : memref<4096x100xf32, #tpu.memory_space<vmem>>, vector<4096x100xf32>
    tpu.vector_store %arg15[%swap3A, %swap3A_143], %add3A_142 {strides = array<i32>} : memref<4096x100xf32, #tpu.memory_space<vmem>>, vector<4096x100xf32>,
    return
  }
}

</mosaic_0001>

<sc_bundles>
// kernel: kernel.4.cloned.1.call-start
scs
__scs_entry_jumppad:
0x0: {  	(pc) =	sbr.rel $0x88, $3  }
0x1: {  	(tag) =	ssettag $0x0;
	lr =	simm.s32 $0x1  }
0x2: {  	[smem:$0x3F92] =	sst lr;
	_ =	strace $0xD0000000  }
0x3: {  	_ = 	snop  }
0x4: {  	_ = 	snop  }
0x5: {  	_ = 	snop  }
0x6: {  	_ = 	snop  }
0x7: {  	_ = 	snop  }
__scs_overlays_trampoline_lowered:
0x8: {  	[smem:$0x3FA1] =	sst s0  }
0x9: {  	[smem:$0x3FA2] =	sst s1  }
0xa: {  	[smem:$0x3FA3] =	sst s2  }
0xb: {  	[smem:$0x3FA4] =	sst s3  }
0xc: {  	[smem:$0x3FA5] =	sst s4  }
0xd: {  	[smem:$0x3FA6] =	sst s5  }
0xe: {  	[smem:$0x3FA7] =	sst s6  }
0xf: {  	[smem:$0x3FA8] =	sst s7  }
0x10: {  	[smem:$0x3FA9] =	sst s8  }
0x11: {  	[smem:$0x3FAA] =	sst s9;
	s0 =	simm.s32 @!p0 $0x0  }
0x12: {  	s1 =	sld [smem:$0x3F90];
	s0 =	simm.s32 @p0 $0x1  }
0x13: {  	[smem:$0x3FAB] =	sst s0;
	s0 =	simm.s32 @!p1 $0x0  }
0x14: {  	s2 =	sld [smem:$0x3F8F];
	s0 =	simm.s32 @p1 $0x1  }
0x15: {  	[smem:$0x3FAC] =	sst s0;
	s0 =	simm.s32 @!p2 $0x0  }
0x16: {  	s3 =	sld [smem:$0x3FDB];
	s0 =	simm.s32 @p2 $0x1  }
0x17: {  	s4 =	simm.s32 $0x1BF5;
	[smem:$0x3FAE] =	sst s0  }
0x18: {  	s0 =	sld [smem:$0x3F91];
	_ =	swait.ge [sflag:s4], $0x0  }
0x19: {  	s7 =	sld [smem:$0x3F92]  }
0x1a: {  	s8 =	sadd.s32 $0xFFFFE003, lr  }
0x1b: {  	s9 =	sadd.s32 $0xFFFFFEF7, lr;
	s5 =	simm.s32 $0xFFFFFFFF;
	p2 =	slt.u32 s8, $0xFFFFF086  }
0x1c: {  	p1 =	slt.u32 s9, $0xF7A;
	s5 =	simm.s32 @!p2 $0x0  }
0x1d: {  	s5 =	simm.s32 @p1 $0x1;
	p0 =	seq.s32 s7, s2  }
0x1e: {  	s7 =	smul.u32 @!p0 $0xF7A, s2;
	p2 =	seq.s32 @!p0 s5, $0x0  }
0x1f: {  	s9 =	smul.u32 $0xF7A, s1;
	s8 =	simm.s32 @!p0 $0x1BF5;
	p2 =	por !p2, p0  }
0x20: {  	[sflag:s8] =	ssyncset.s32 @!p0 $0xFFFFF086;
	s6 =	sadd.s32 @!p0 s3, s7;
	s7 =	simm.s32 @!p0 $0x108  }
0x21: {  	s3 =	sadd.s32 s3, s9;
	s6 =	sadd.s32 @!p0 $0x88, s6;
	s7 =	simm.s32 @p2 $0x1082  }
0x22: {  	[simem:s7], [sflag:s8] =	dma.local @!p0 [hbm:s6], $0xF7A  }
0x23: {  	s9 =	sor.u32 $0xD0000000, s2;
	s6 =	simm.s32 $0x108;
	_ =	swait.ge @!p0 [sflag:s8], $0x0  }
0x24: {  	s3 =	sadd.s32 $0x88, s3;
	s6 =	simm.s32 @!p1 $0x1082;
	[sflag:s4] =	ssyncset.s32 $0xFFFFF086  }
0x25: {  	[simem:s6], [sflag:s4] =	dma.local [hbm:s3], $0xF7A  }
0x26: {  	[smem:$0x3F92] =	sst s1;
	(tag) =	ssettag s2;
	_ =	strace s9  }
0x27: {  	s1 =	sld [smem:$0x3FA2]  }
0x28: {  	s2 =	sld [smem:$0x3FA3]  }
0x29: {  	s4 =	sld [smem:$0x3FA5]  }
0x2a: {  	p0 =	seq.s32 s5, $0x0;
	s5 =	sld [smem:$0x3FA6]  }
0x2b: {  	s6 =	sld [smem:$0x3FA7]  }
0x2c: {  	s7 =	sld [smem:$0x3FA8]  }
0x2d: {  	s3 =	simm.s32 $0x108;
	s8 =	sld [smem:$0x3FA9]  }
0x2e: {  	s3 =	simm.s32 @!p0 $0x1082;
	s9 =	sld [smem:$0x3FAA]  }
0x2f: {  	lr =	sadd.s32 s0, s3;
	s0 =	sld [smem:$0x3FA1]  }
0x30: {  	s3 =	sld [smem:$0x3FA4]  }
0x31: {  	[smem:$0x3FAD] =	sst s10  }
0x32: {  	s10 =	sld [smem:$0x3FAB];
	_ =	sdelay $0x3  }
0x33: {  	p0 =	seq.s32 s10, $0x1;
	s10 =	sld [smem:$0x3FAD];
	_ =	sdelay $0x3  }
0x34: {  	[smem:$0x3FAD] =	sst s10  }
0x35: {  	s10 =	sld [smem:$0x3FAC];
	_ =	sdelay $0x3  }
0x36: {  	p1 =	seq.s32 s10, $0x1;
	s10 =	sld [smem:$0x3FAD];
	_ =	sdelay $0x3  }
0x37: {  	[smem:$0x3FAD] =	sst s10  }
0x38: {  	s10 =	sld [smem:$0x3FAE]  }
0x39: {  	_ = 	snop;
	(pc) =	sbr.ind lr, $3  }
0x3a: {  	_ = 	snop  }
0x3b: {  	_ = 	snop  }
0x3c: {  	p2 =	seq.s32 s10, $0x1;
	s10 =	sld [smem:$0x3FAD]  }
0x3d: {  	_ =	shalt  }
0x3e: {  	_ =	shalt  }
0x3f: {  	_ =	shalt  }
0x40: {  	_ =	shalt  }
0x41: {  	_ =	shalt  }
0x42: {  	_ =	shalt  }
0x43: {  	_ =	shalt  }
0x44: {  	_ =	shalt  }
0x45: {  	_ =	shalt  }
0x46: {  	_ =	shalt  }
0x47: {  	_ =	shalt  }
0x48: {  	_ =	shalt  }
0x49: {  	_ =	shalt  }
0x4a: {  	_ =	shalt  }
0x4b: {  	_ =	shalt  }
0x4c: {  	_ =	shalt  }
0x4d: {  	_ =	shalt  }
0x4e: {  	_ =	shalt  }
0x4f: {  	_ =	shalt  }
0x50: {  	_ =	shalt  }
0x51: {  	_ =	shalt  }
0x52: {  	_ =	shalt  }
0x53: {  	_ =	shalt  }
0x54: {  	_ =	shalt  }
0x55: {  	_ =	shalt  }
0x56: {  	_ =	shalt  }
0x57: {  	_ =	shalt  }
0x58: {  	_ =	shalt  }
0x59: {  	_ =	shalt  }
0x5a: {  	_ =	shalt  }
0x5b: {  	_ =	shalt  }
0x5c: {  	_ =	shalt  }
0x5d: {  	_ =	shalt  }
0x5e: {  	_ =	shalt  }
0x5f: {  	_ =	shalt  }
0x60: {  	_ =	shalt  }
0x61: {  	_ =	shalt  }
0x62: {  	_ =	shalt  }
0x63: {  	_ =	shalt  }
0x64: {  	_ =	shalt  }
0x65: {  	_ =	shalt  }
0x66: {  	_ =	shalt  }
0x67: {  	_ =	shalt  }
0x68: {  	_ =	shalt  }
0x69: {  	_ =	shalt  }
0x6a: {  	_ =	shalt  }
0x6b: {  	_ =	shalt  }
0x6c: {  	_ =	shalt  }
0x6d: {  	_ =	shalt  }
0x6e: {  	_ =	shalt  }
0x6f: {  	_ =	shalt  }
0x70: {  	_ =	shalt  }
0x71: {  	_ =	shalt  }
0x72: {  	_ =	shalt  }
0x73: {  	_ =	shalt  }
0x74: {  	_ =	shalt  }
0x75: {  	_ =	shalt  }
0x76: {  	_ =	shalt  }
0x77: {  	_ =	shalt  }
0x78: {  	_ =	shalt  }
0x79: {  	_ =	shalt  }
0x7a: {  	_ =	shalt  }
0x7b: {  	_ =	shalt  }
0x7c: {  	_ =	shalt  }
0x7d: {  	_ =	shalt  }
0x7e: {  	_ =	shalt  }
0x7f: {  	_ =	shalt  }
0x80: {  	_ =	shalt  }
0x81: {  	_ =	shalt  }
0x82: {  	_ =	shalt  }
0x83: {  	_ =	shalt  }
0x84: {  	_ =	shalt  }
0x85: {  	_ =	shalt  }
0x86: {  	_ =	shalt  }
0x87: {  	_ =	shalt  }
.Lfunc_end0:
.L_simem_size_0:
called_computation.2_lowered:
.L_overlay_start_0:
0x88: {  	s2 =	sld [smem:$0x3FD9]  }
0x89: {  	s3 =	sld [smem:$0x3FFE];
	_ =	sdelay $0x1  }
0x8a: {  	s1 =	srdreg.scid  }
0x8b: {  	s0 =	sand.u32 $0x1, s1  }
0x8c: {  	s17 =	sshll.u32 s0, $0xA;
	s2 =	sadd.s32 s3, s2  }
0x8d: {  	s2 =	sadd.s32 s2, s17  }
0x8e: {  	[smem:$0x3FB9] =	sst s2  }
0x8f: {  	_ = 	snop  }
0x90: {  	s2 =	sld [smem:$0x3FD0];
	(tm) =	ssettm $0x1  }
0x91: {  	s18 =	sld [smem:$0x3FFB];
	_ =	sdelay $0x3  }
0x92: {  	_ =	strace s18  }
0x93: {  	s3 =	sld [smem:$0x3FFC];
	_ =	sdelay $0x3  }
0x94: {  	_ =	strace s3  }
0x95: {  	s3 =	sld [smem:$0x3FFD];
	_ =	sdelay $0x3  }
0x96: {  	_ =	strace s3  }
0x97: {  	_ =	strace $0x8FFFFFFF  }
0x98: {  	s19 =	sld [smem:$0x3FDB];
	_ =	sdelay $0x1  }
0x99: {  	s4 =	simm.s32 $_scs_section_size  }
0x9a: {  	s5 =	simm.s32 $_size__tile_overlayer_lowered;
	s6 =	simm.s32 $_tile_overlayer_lowered  }
0x9b: {  	s22 =	simm.s32 $0x1BFF;
	s21 =	sshll.u32 s6, $0x1;
	s3 =	sadd.s32 s4, s19  }
0x9c: {  	s7 =	simm.s32 $0x0;
	s20 =	sshll.u32 s5, $0x1;
	s5 =	sadd.s32 s21, s3  }
0x9d: {  	[timem:s7], [sflag:s22] =	dma.local [hbm:s5], s20  }
0x9e: {  	_ =	swait.ge [sflag:s22], s20  }
0x9f: {  	s4 =	ssub.s32 $0x0, s20;
	[sflag:s22] =	ssyncset.done $0x0  }
0xa0: {  	[sflag:s22] =	ssyncadd.s32 s4;
	_ =	sdelay $0x1  }
0xa1: {  	s23 =	simm.s32 $0x1B8B  }
0xa2: {  	_ =	swait.ge [sflag:s23], $0x1  }
0xa3: {  	[sflag:s23] =	ssyncset.done $0x0  }
0xa4: {  	s25 =	simm.s32 $0x1B8E;
	s24 =	sld [smem:$0x3FFE];
	[sflag:s23] =	ssyncadd.s32 $0xFFFFFFFF  }
0xa5: {  	s26 =	simm.s32 $execute0_lowered;
	[smem:$0x3FD2] =	sst s25  }
0xa6: {  	s5 =	sshll.u32 s26, $0x1;
	_ =	strace $0x8000004C;
	[dreg:$0x1] =	wrdreg $0xFFFFFFFF  }
0xa7: {  	s28 =	simm.s32 $_size_execute0_lowered;
	s3 =	sadd.s32 s3, s5;
	[dreg:$0x0] =	wrdreg $0x0  }
0xa8: {  	s5 =	sshll.u32 s28, $0x1;
	[dreg:$0x2] =	wrdreg s3  }
0xa9: {  	[dreg:$0x3] =	wrdreg s5  }
0xaa: {  	[dreg:$0x4] =	wrdreg $0xC0  }
0xab: {  	_ =	task [dreg:s7], $0x5FFFF  }
0xac: {  	[dreg:$0x1] =	wrdreg $0xFFFFFFFF  }
0xad: {  	[dreg:$0x0] =	wrdreg $0x60  }
0xae: {  	[dreg:$0x2] =	wrdreg s24  }
0xaf: {  	[dreg:$0x3] =	wrdreg s2  }
0xb0: {  	[dreg:$0x4] =	wrdreg $0x9  }
0xb1: {  	_ =	task.clear_ibuf [dreg:s7], $0x5FFFF;
	_ =	strace $0x9000004C  }
0xb2: {  	s29 =	simm.s32 $0x9;
	_ =	strace $0x8000004E  }
0xb3: {  	_ =	swait.ge [sflag:s29], $0x1  }
0xb4: {  	[sflag:s29] =	ssyncadd.s32 $0xFFFFFFFF  }
0xb5: {  	_ =	strace $0x9000004E  }
0xb6: {  	_ =	sfence  }
0xb7: {  	s30 =	sld [smem:$0x0];
	_ =	sdelay $0x2  }
0xb8: {  	s31 =	sshll.u32 s1, $0xD;
	s1 =	sshrl.u32 s1, $0x2  }
0xb9: {  	s3 =	sand.u32 $0x4000, s31;
	s1 =	sadd.s32 s1, s30  }
0xba: {  	s0 =	sor.u32 s3, s0;
	s1 =	sshll.u32 s1, $0x11  }
0xbb: {  	s0 =	sor.u32 s1, s0  }
0xbc: {  	s0 =	sadd.s32 $0x8F2B, s0  }
0xbd: {  	[sflag:s0] =	ssyncadd.remote.s32 $0x1  }
0xbe: {  	_ =	sfence.sel $0xFFFF  }
0xbf: {  	[dreg:$0x0] =	wrdreg $0xFFFFFFFF;
	(pc) =	sbr.abs _section_cstart, $3  }
0xc0: {  	[dreg:$0x1] =	wrdreg $0xFFFFFFFF  }
0xc1: {  	_ =	task.clear_ibuf [dreg:s7], $0x2FFFF;
	_ =	strace $0x9FFFFFFF  }
0xc2: {  	(tm) =	ssettm $0x7FFFFFFF  }
0xc3: {  	_ =	shalt  }
tec
execute0_lowered:
.L_overlay_start_1:
0x0: {  	(tag) =	ssettag $0x1  }
0x1: {  	s1 =	srdreg.scid  }
0x2: {  	s0 =	stileid.u32;
	s8 =	rddreg [dreg:$0x0]  }
0x3: {  	s3 =	rddreg [dreg:$0x1];
	s6 =	sand.u32 $0x1, s1;
	s30 =	sshll.u32 s0, $0x1  }
0x4: {  	s2 =	simm.s32 $0x0;
	s1 =	rddreg [dreg:$0x2];
	s7 =	sor.u32 s6, s30  }
0x5: {  	[smem:$0x7FF] =	sst s2;
	s4 =	smul.u32 $0x1A0, s7  }
0x6: {  	s5 =	sadd.s32 $0x2E00, s8;
	_ =	strace $0x8000004D;
	s10 =	ssub.s32 $0x2, s6  }
0x7: {  	s6 =	simm.s32 $0xD00;
	s4 =	sadd.s32 s3, s4;
	s3 =	simm.s32 $0x2  }
0x8: {  	[tilespmem:s2], [sflag:$0x2] =	stream.linear.gather [hbm4b:s4+s2], $0xD00, $0x38;
	[tilespmem:$0xDD00] =	vst v63  }
0x9: {  	s9 =	smul.u32 $0x1A00, s7;
	s11 =	sshrl.u32 s10, $0x1;
	_ =	swait.ge [sflag:s3], $0xD00  }
0xa: {  	s7 =	simm.s32 $0x1;
	s31 =	ssub.s32 s10, s11;
	[sflag:s3] =	ssyncset.done $0x0  }
0xb: {  	s8 =	sadd.s32 s9, s8;
	s9 =	smax.u32 s31, $0x1;
	[sflag:s3] =	ssyncadd.s32 $0xFFFFF300  }
0xc: {  	[tilespmem:s6], [sflag:$0x1] =	stream.indirect.gather [hbm4b:s5+s6], $0x10, s2, s6, $0xb8;
	[tilespmem:$0xDD00] =	vst v63  }
0xd: {  	p0 =	sne.s32 s9, $0x1;
	_ =	swait.ge [sflag:s7], $0xD000  }
.Ltmp0:
0xe: {  	[sflag:s7] =	ssyncset.done $0x0;
	(pc) =	sbr.rel @!p0 .LBB2_2-.Ltmp0, $4  }
0xf: {  	s8 =	sadd.s32 $0x4F8800, s8;
	[sflag:s7] =	ssyncadd.s32 $0xFFFF3000  }
0x10: {  	[hbm4b:s8+s2] =	stream.linear.scatter [tilespmem:s6], [sflag:$0x2], $0xD000, $0x38;
	[tilespmem:$0xDD00] =	vst v63  }
0x11: {  	_ =	swait.ge [sflag:s3], $0xD000  }
0x12: {  	s9 =	sadd.s32 $0xFFFFFFFF, s9;
	[sflag:s3] =	ssyncset.done $0x0  }
.LBB2_1:
0x13: {  	p0 =	sne.s32 s9, $0x1;
	s9 =	sadd.s32 $0xFFFFFFFF, s9;
	[sflag:s3] =	ssyncadd.s32 $0xFFFF3000  }
0x14: {  	[tilespmem:s2], [sflag:$0x2] =	stream.linear.gather [hbm4b:s4+s2], $0xD00, $0x38;
	[tilespmem:$0xDD00] =	vst v63  }
0x15: {  	_ =	swait.ge [sflag:s3], $0xD00  }
0x16: {  	[sflag:s3] =	ssyncset.done $0x0  }
0x17: {  	[sflag:s3] =	ssyncadd.s32 $0xFFFFF300  }
0x18: {  	[tilespmem:s6], [sflag:$0x1] =	stream.indirect.gather [hbm4b:s5+s6], $0x10, s2, s6, $0xb8;
	[tilespmem:$0xDD00] =	vst v63  }
0x19: {  	_ =	swait.ge [sflag:s7], $0xD000  }
.Ltmp1:
0x1a: {  	[sflag:s7] =	ssyncset.done $0x0;
	(pc) =	sbr.rel @p0 .LBB2_1-.Ltmp1, $4  }
0x1b: {  	[sflag:s7] =	ssyncadd.s32 $0xFFFF3000  }
0x1c: {  	[hbm4b:s8+s2] =	stream.linear.scatter [tilespmem:s6], [sflag:$0x2], $0xD000, $0x38;
	[tilespmem:$0xDD00] =	vst v63  }
0x1d: {  	_ =	swait.ge [sflag:s3], $0xD000  }
0x1e: {  	[sflag:s3] =	ssyncset.done $0x0  }
.LBB2_2:
0x1f: {  	[sflag:s3] =	ssyncadd.s32 $0xFFFF3000  }
0x20: {  	_ =	sfence.sel $0x180000  }
0x21: {  	[bflag:$0x0] =	sbarrier.arrive $0xFFFF  }
0x22: {  	p0 =	sne.s32 s0, $0x0;
	_ =	strace $0x9000004D  }
0x23: {  	s0 =	sadd.s32 @!p0 $0x100000, s1;
	[bflag:$0x2] =	sbarrier.arrive $0xFFFF  }
0x24: {  	[sflag:s0] =	ssyncadd.tile.s32 @!p0 $0x1;
	_ =	shalt  }
.Lfunc_end2:
_tile_overlayer_lowered:
.L_overlay_start_2:
0x25: {  	(tag) =	ssettag $0x2  }
0x26: {  	s0 =	rddreg [dreg:$0x0];
	s2 =	stileid.u32  }
0x27: {  	s1 =	rddreg [dreg:$0x1];
	p0 =	sne.s32 s2, $0x0  }
0x28: {  	s3 =	rddreg [dreg:$0x2];
	[bflag:$0x3] =	sbarrier.arrive $0xFFFF;
	s2 =	simm.s32 @!p0 $0x1C02  }
0x29: {  	[timem:s3], [sflag:s2] =	dma.local @!p0 [hbm:s0], s1  }
0x2a: {  	s0 =	simm.s32 @!p0 $0x2  }
0x2b: {  	_ =	swait.ge @!p0 [sflag:s0], s1  }
0x2c: {  	s1 =	ssub.s32 @!p0 $0x0, s1;
	[sflag:s0] =	ssyncset.done @!p0 $0x0  }
0x2d: {  	[sflag:s0] =	ssyncadd.s32 @!p0 s1  }
0x2e: {  	[bflag:$0x3] =	sbarrier.arrive $0xFFFF  }
0x2f: {  	_ =	shalt  }

// kernel: sparse-core-data-format-call.1.cloned.1.call-start
scs
called_computation.1_lowered:
.L_overlay_start_0:
0x0: {  	s1 =	sld [smem:$0x3FD9]  }
0x1: {  	s2 =	sld [smem:$0x3FFE];
	_ =	sdelay $0x1  }
0x2: {  	s3 =	srdreg.scid  }
0x3: {  	s0 =	sand.u32 $0x1, s3  }
0x4: {  	s17 =	sshll.u32 s0, $0xA;
	s1 =	sadd.s32 s2, s1  }
0x5: {  	s1 =	sadd.s32 s1, s17  }
0x6: {  	[smem:$0x3FB9] =	sst s1  }
0x7: {  	_ = 	snop  }
0x8: {  	(tm) =	ssettm $0x1  }
0x9: {  	s18 =	sld [smem:$0x3FFB];
	_ =	sdelay $0x3  }
0xa: {  	_ =	strace s18  }
0xb: {  	s1 =	sld [smem:$0x3FFC];
	_ =	sdelay $0x3  }
0xc: {  	_ =	strace s1  }
0xd: {  	s1 =	sld [smem:$0x3FFD];
	_ =	sdelay $0x3  }
0xe: {  	_ =	strace s1  }
0xf: {  	_ =	strace $0x8FFFFFFF  }
0x10: {  	s19 =	sld [smem:$0x3FDB];
	_ =	sdelay $0x1  }
0x11: {  	s20 =	simm.s32 $_scs_section_size  }
0x12: {  	s4 =	simm.s32 $_size__tile_overlayer_lowered;
	s5 =	simm.s32 $_tile_overlayer_lowered  }
0x13: {  	s23 =	simm.s32 $0x1BFF;
	s22 =	sshll.u32 s5, $0x1;
	s1 =	sadd.s32 s20, s19  }
0x14: {  	s6 =	simm.s32 $0x0;
	s21 =	sshll.u32 s4, $0x1;
	s4 =	sadd.s32 s22, s1  }
0x15: {  	[timem:s6], [sflag:s23] =	dma.local [hbm:s4], s21  }
0x16: {  	_ =	swait.ge [sflag:s23], s21  }
0x17: {  	s2 =	ssub.s32 $0x0, s21;
	[sflag:s23] =	ssyncset.done $0x0  }
0x18: {  	[sflag:s23] =	ssyncadd.s32 s2;
	_ =	sdelay $0x1  }
0x19: {  	s24 =	simm.s32 $0x1B8B  }
0x1a: {  	_ =	swait.ge [sflag:s24], $0x1  }
0x1b: {  	[sflag:s24] =	ssyncset.done $0x0  }
0x1c: {  	s26 =	simm.s32 $0x1B8E;
	s25 =	sld [smem:$0x3FFE];
	[sflag:s24] =	ssyncadd.s32 $0xFFFFFFFF  }
0x1d: {  	s27 =	simm.s32 $execute0_lowered;
	[smem:$0x3FD2] =	sst s26  }
0x1e: {  	s4 =	sshll.u32 s27, $0x1;
	_ =	strace $0x80000046;
	[dreg:$0x1] =	wrdreg $0xFFFFFFFF  }
0x1f: {  	s28 =	simm.s32 $_size_execute0_lowered;
	s1 =	sadd.s32 s1, s4;
	[dreg:$0x0] =	wrdreg $0x0  }
0x20: {  	s4 =	sshll.u32 s28, $0x1;
	[dreg:$0x2] =	wrdreg s1  }
0x21: {  	[dreg:$0x3] =	wrdreg s4  }
0x22: {  	[dreg:$0x4] =	wrdreg $0xC0  }
0x23: {  	_ =	task [dreg:s6], $0x5FFFF  }
0x24: {  	[dreg:$0x1] =	wrdreg $0xFFFFFFFF  }
0x25: {  	[dreg:$0x0] =	wrdreg $0x60  }
0x26: {  	[dreg:$0x2] =	wrdreg s25  }
0x27: {  	[dreg:$0x3] =	wrdreg $0x9  }
0x28: {  	_ =	task.clear_ibuf [dreg:s6], $0x4FFFF;
	_ =	strace $0x90000046  }
0x29: {  	s29 =	simm.s32 $0x9;
	_ =	strace $0x80000048  }
0x2a: {  	_ =	swait.ge [sflag:s29], $0x1  }
0x2b: {  	[sflag:s29] =	ssyncadd.s32 $0xFFFFFFFF  }
0x2c: {  	_ =	strace $0x90000048  }
0x2d: {  	_ =	sfence  }
0x2e: {  	s30 =	sld [smem:$0x0];
	_ =	sdelay $0x2  }
0x2f: {  	s31 =	sshll.u32 s3, $0xD;
	s3 =	sshrl.u32 s3, $0x2  }
0x30: {  	s2 =	sand.u32 $0x4000, s31;
	s1 =	sadd.s32 s3, s30  }
0x31: {  	s0 =	sor.u32 s2, s0;
	s1 =	sshll.u32 s1, $0x11  }
0x32: {  	s0 =	sor.u32 s1, s0  }
0x33: {  	s0 =	sadd.s32 $0x8F2B, s0  }
0x34: {  	[sflag:s0] =	ssyncadd.remote.s32 $0x1  }
0x35: {  	_ =	sfence.sel $0xFFFF  }
0x36: {  	[dreg:$0x0] =	wrdreg $0xFFFFFFFF;
	(pc) =	sbr.abs _section_cstart, $3  }
0x37: {  	[dreg:$0x1] =	wrdreg $0xFFFFFFFF  }
0x38: {  	_ =	task.clear_ibuf [dreg:s6], $0x2FFFF;
	_ =	strace $0x9FFFFFFF  }
0x39: {  	(tm) =	ssettm $0x7FFFFFFF  }
tec
execute0_lowered:
.L_overlay_start_1:
0x0: {  	(tag) =	ssettag $0x1  }
0x1: {  	s0 =	srdreg.scid;
	s5 =	rddreg [dreg:$0x0];
	s6 =	simm.s32 $0x2  }
0x2: {  	s16 =	simm.s32 $0x0;
	p0 =	por $0x0, $0x0;
	s8 =	simm.s32 $0x80  }
0x3: {  	s17 =	simm.s32 $0x0;
	s18 =	simm.s32 $0x0;
	s1 =	sshll.u32 s0, $0x4  }
0x4: {  	s9 =	simm.s32 $0x0;
	s0 =	stileid.u32;
	s1 =	sand.u32 $0x10, s1  }
0x5: {  	s10 =	simm.s32 $0x0;
	s11 =	simm.s32 $0x0;
	s1 =	sor.u32 s0, s1  }
0x6: {  	s13 =	simm.s32 $0x0;
	s14 =	simm.s32 $0x0;
	s2 =	sshll.u32 s1, $0x8  }
.Ltmp0:
0x7: {  	s15 =	simm.s32 $0x0;
	s3 =	ssub.s32 $0x18600, s2;
	(pc) =	sbr.rel .LBB1_1-.Ltmp0, $4  }
0x8: {  	s1 =	rddreg [dreg:$0x1];
	_ =	strace $0x80000047;
	s4 =	sshrl.u32 s3, $0xD  }
0x9: {  	s12 =	smov.u32 s2;
	s3 =	simm.s32 $0x1;
	s7 =	smul.u32 $0x1A, s4  }
0xa: {  	s4 =	sadd.s32 $0x2E00, s5;
	[sflag:s3] =	ssyncpa.u1 $0x0;
	s5 =	sadd.s32 $0x4F9A00, s5  }
0xb: {  	[sflag:s6] =	ssyncpa.u1 $0x0;
	s6 =	sadd.s32 $0x1A, s7;
	s7 =	sadd.s32 $0x1B, s7  }
.LBB1_5:
0xc: {  	p1 =	slt.u32 s15, $0x2  }
0xd: {  	p2 =	sgt.s32 @!p1 s18, $0x19  }
0xe: {  	s19 =	smov.u32 s18;
	s20 =	sshra.s32 @!p1 s18, $0x1F;
	p2 =	por !p2, p1  }
0xf: {  	p3 =	sgt.s32 @!p1 s17, $0x60;
	s18 =	sand.u32 @!p1 s20, s18;
	s19 =	simm.s32 @p2 $0x19  }
0x10: {  	p3 =	por !p3, p1;
	s18 =	ssub.s32 @!p1 s19, s18  }
0x11: {  	s20 =	sshra.s32 @!p1 s17, $0x1F;
	s19 =	sadd.s32 @!p1 $0xFFFFFFE7, s18;
	s18 =	ssub.s32 @!p1 $0x1A, s18  }
0x12: {  	p2 =	sgt.s32 @!p1 s19, $0x0;
	s19 =	smov.u32 s17;
	s17 =	sand.u32 @!p1 s20, s17  }
0x13: {  	s20 =	smov.u32 s16;
	s19 =	simm.s32 @p3 $0x60;
	p3 =	sgt.s32 @!p1 s16, $0x185A0  }
0x14: {  	p3 =	por !p3, p1;
	s17 =	ssub.s32 @!p1 s19, s17;
	s19 =	sshra.s32 @!p1 s16, $0x1F  }
0x15: {  	s20 =	simm.s32 @p3 $0x185A0;
	s16 =	sand.u32 @!p1 s19, s16;
	s19 =	sadd.s32 @!p1 $0xFFFFFFA0, s17  }
0x16: {  	p2 =	por !p2, p1;
	s16 =	ssub.s32 @!p1 s20, s16;
	p3 =	sgt.s32 @!p1 s19, $0x1F  }
0x17: {  	s17 =	ssub.s32 @!p1 $0x80, s17;
	s19 =	sadd.s32 @!p1 $0xFFFE7A60, s16;
	p3 =	por !p3, p1  }
0x18: {  	s18 =	simm.s32 @!p2 $0x0;
	s17 =	simm.s32 @!p3 $0x0;
	p2 =	sgt.s32 @!p1 s19, $0xFF  }
0x19: {  	s16 =	ssub.s32 @!p1 $0x186A0, s16;
	p2 =	por !p2, p1;
	s17 =	smul.u32 @!p1 s18, s17  }
0x1a: {  	s20 =	smov.u32 s13;
	s19 =	sadd.s32 $0x2000, s12;
	s16 =	simm.s32 @!p2 $0x0  }
0x1b: {  	p2 =	sgt.s32 s19, $0x1869F;
	s16 =	smul.u32 @!p1 s16, s17;
	s17 =	sadd.s32 $0x20, s13  }
0x1c: {  	s20 =	smov.u32 @p2 s17  }
0x1d: {  	s19 =	smov.u32 @p2 s2;
	s17 =	simm.s32 $0x1;
	p2 =	sgt.s32 s20, $0x1F  }
0x1e: {  	s17 =	simm.s32 @!p2 $0x0  }
0x1f: {  	p0 =	por !p0, !p0;
	s21 =	simm.s32 @!p1 $0x2;
	s23 =	sadd.s32 s17, s14  }
0x20: {  	s18 =	smov.u32 s11;
	s20 =	simm.s32 @p2 $0x0;
	p2 =	sgt.s32 s23, $0x19  }
0x21: {  	s16 =	sshrl.u32 @!p1 s16, $0x1;
	s23 =	simm.s32 @p2 $0x0;
	p2 =	sne.s32 s15, s7  }
.Ltmp1:
0x22: {  	s11 =	smov.u32 s14;
	s16 =	sand.u32 @!p1 $0x3FFFFFFF, s16;
	(pc) =	sbr.rel @!p2 .LBB1_6-.Ltmp1, $4  }
0x23: {  	_ =	swait.ge @!p1 [sflag:s21], s16;
	s22 =	ssub.s32 @!p1 $0x0, s16;
	s16 =	smov.u32 s9  }
0x24: {  	s17 =	smov.u32 s10;
	s9 =	smov.u32 s12;
	s10 =	smov.u32 s13  }
0x25: {  	s12 =	smov.u32 s19;
	s13 =	smov.u32 s20;
	[sflag:s21] =	ssyncset.done @!p1 $0x0  }
0x26: {  	s15 =	sadd.s32 $0x1, s15;
	[sflag:s21] =	ssyncadd.s32 @!p1 s22;
	s14 =	smov.u32 s23  }
.LBB1_1:
0x27: {  	p1 =	sge.u32 s15, s6  }
0x28: {  	s19 =	sshrl.u32 @!p1 s13, $0x3  }
0x29: {  	s20 =	sand.u32 @!p1 $0x1, s13;
	s21 =	sshll.u32 @!p1 s12, $0x3;
	s19 =	smul.u32 @!p1 $0xC3800, s19  }
0x2a: {  	s22 =	sshll.u32 @!p1 s13, $0x7;
	s23 =	sshll.u32 @!p1 s12, $0x1;
	s21 =	sand.u32 @!p1 $0xFFFFFC00, s21  }
0x2b: {  	s19 =	sadd.s32 @!p1 s19, s21;
	s21 =	sand.u32 @!p1 $0x300, s22;
	s22 =	sand.u32 @!p1 $0xFE, s23  }
0x2c: {  	s19 =	sor.u32 @!p1 s21, s19;
	s20 =	sor.u32 @!p1 s20, s22  }
0x2d: {  	s20 =	sor.u32 @!p1 s19, s20;
	s19 =	smulhi.u32 @!p1 $0xA79C7B17, s19  }
0x2e: {  	s21 =	smulhi.u32 @!p1 $0xA79C7B17, s20;
	_ =	sdelay $0x1  }
0x2f: {  	s22 =	smul.u32 @!p1 $0x30E00, s14;
	s19 =	sshrl.u32 @!p1 s19, $0x10;
	s21 =	sshrl.u32 @!p1 s21, $0x10  }
0x30: {  	s19 =	sand.u32 @!p1 $0x1F, s19;
	s21 =	smul.u32 @!p1 $0x18700, s21  }
0x31: {  	s19 =	smul.u32 @!p1 $0x1870, s19  }
0x32: {  	s23 =	sxor.u32 @!p1 $0xFFFFFFFF, s15;
	s20 =	ssub.s32 @!p1 s20, s21;
	s21 =	sadd.s32 @!p1 s4, s22  }
0x33: {  	s22 =	sshrl.u32 @!p1 s20, $0x4;
	s19 =	sadd.s32 @!p1 s19, s21;
	s20 =	sshll.u32 @!p1 s20, $0x11  }
0x34: {  	s21 =	sshll.u32 @!p1 s23, $0xC;
	s19 =	sadd.s32 @!p1 s22, s19;
	s20 =	sand.u32 @!p1 $0x1C0000, s20  }
0x35: {  	s21 =	sand.u32 @!p1 $0x1000, s21;
	s22 =	simm.s32 @!p1 $0x61C00;
	s20 =	sor.u32 @!p1 $0x400, s20  }
0x36: {  	[tilespmem:s21], [sflag:$0x1] =	stream.strided.gather @!p1 [hbm4b:s19+s20], $0x1000, s22, s20, $0x38;
	[tilespmem:$0x4100] =	vst v63  }
0x37: {  	p1 =	seq.s32 s15, $0x0  }
0x38: {  	p2 =	sge.u32 @!p1 s15, s7  }
0x39: {  	p1 =	por p1, p2  }
.Ltmp2:
0x3a: {  	_ = 	snop;
	(pc) =	sbr.rel @p1 .LBB1_5-.Ltmp2, $1  }
0x3b: {  	_ =	sdelay $0x3  }
0x3c: {  	s21 =	sand.u32 $0x1, s15;
	s19 =	simm.s32 $0x0  }
0x3d: {  	_ =	swait.ge [sflag:s3], $0x1000;
	s20 =	sshll.u32 s21, $0xC;
	s22 =	sand.u32 $0xC00, s19  }
0x3e: {  	[sflag:s3] =	ssyncset.done $0x0;
	s19 =	sand.u32 $0x180, s19;
	s22 =	sadd.s32 s22, s20  }
0x3f: {  	[sflag:s3] =	ssyncadd.s32 $0xFFFFF000;
	s22 =	sadd.s32 s19, s22  }
0x40: {  	v0 =	vld [tilespmem:s22+$0x260]  }
0x41: {  	v1 =	vld [tilespmem:s22+$0x270]  }
0x42: {  	v2 =	vld [tilespmem:s22+$0x0]  }
0x43: {  	v3 =	vld [tilespmem:s22+$0x10]  }
0x44: {  	v4 =	vld [tilespmem:s22+$0x20]  }
0x45: {  	s19 =	simm.s32 $0x1;
	v5 =	vld [tilespmem:s22+$0x30]  }
0x46: {  	s19 =	simm.s32 @!p0 $0x0;
	v6 =	vld [tilespmem:s22+$0x40]  }
0x47: {  	v7 =	vld [tilespmem:s22+$0x50];
	s19 =	smul.u32 $0x4200, s19;
	v1 =	vperm.xlane.i2c.b16 v1;
	v0 =	vperm.xlane.i2c.b16 v0  }
0x48: {  	v8 =	vld [tilespmem:s22+$0x60];
	v2 =	vperm.xlane.i2c.b16 v2;
	v3 =	vperm.xlane.i2c.b16 v3  }
0x49: {  	v10 =	vld [tilespmem:s22+$0x70];
	s19 =	sshrl.u32 s19, $0x2;
	v9 =	vcombine.low v0, v1;
	v0 =	vcombine.high v0, v1  }
0x4a: {  	s19 =	sor.u32 $0x2000, s19;
	v1 =	vperm.xlane.i2c.b16 v5;
	v5 =	vld [tilespmem:s22+$0x200];
	v11 =	vcombine.low v2, v3  }
0x4b: {  	v4 =	vperm.xlane.i2c.b16 v4;
	v2 =	vcombine.high v2, v3;
	v3 =	vld [tilespmem:s22+$0x210];
	[tilespmem:s19+$0xE70 ss:$0x21] =	vst.msk $0xffff, v9  }
0x4c: {  	s23 =	simm.s32 $0x100;
	v6 =	vperm.xlane.i2c.b16 v6;
	v7 =	vperm.xlane.i2c.b16 v7;
	v9 =	vld [tilespmem:s22+$0x220];
	[tilespmem:s19+$0x0 ss:$0x21] =	vst.msk $0xffff, v11  }
0x4d: {  	s24 =	simm.s32 $0x80;
	s23 =	sand.u32 $0xC00, s23;
	[tilespmem:s19+$0xE71 ss:$0x21] =	vst.msk $0xffff, v0;
	v0 =	vcombine.low v4, v1;
	v1 =	vcombine.high v4, v1;
	v4 =	vld [tilespmem:s22+$0x230]  }
0x4e: {  	s25 =	sand.u32 $0x180, s24;
	s23 =	sadd.s32 s23, s20;
	[tilespmem:s19+$0x1 ss:$0x21] =	vst.msk $0xffff, v2;
	v2 =	vperm.xlane.i2c.b16 v8;
	v8 =	vperm.xlane.i2c.b16 v10;
	v10 =	vld [tilespmem:s22+$0x240]  }
0x4f: {  	s23 =	sadd.s32 s25, s23;
	[tilespmem:s19+$0x210 ss:$0x21] =	vst.msk $0xffff, v0;
	v0 =	vcombine.low v6, v7;
	v6 =	vcombine.high v6, v7;
	v7 =	vld [tilespmem:s22+$0x250]  }
0x50: {  	v11 =	vcombine.low v2, v8;
	v2 =	vcombine.high v2, v8;
	v8 =	vld [tilespmem:s23+$0x0];
	[tilespmem:s19+$0x211 ss:$0x21] =	vst.msk $0xffff, v1  }
0x51: {  	v1 =	vperm.xlane.i2c.b16 v5;
	v5 =	vld [tilespmem:s23+$0x260];
	[tilespmem:s19+$0x420 ss:$0x21] =	vst.msk $0xffff, v0;
	v0 =	vperm.xlane.i2c.b16 v3  }
0x52: {  	v3 =	vld [tilespmem:s23+$0x270];
	[tilespmem:s19+$0x421 ss:$0x21] =	vst.msk $0xffff, v6;
	v6 =	vperm.xlane.i2c.b16 v9  }
0x53: {  	[tilespmem:s19+$0x630 ss:$0x21] =	vst.msk $0xffff, v11;
	v11 =	vld [tilespmem:s23+$0x10];
	v4 =	vperm.xlane.i2c.b16 v4;
	v9 =	vcombine.low v1, v0  }
0x54: {  	v12 =	vcombine.high v1, v0;
	v0 =	vperm.xlane.i2c.b16 v10  }
0x55: {  	[tilespmem:s19+$0x631 ss:$0x21] =	vst.msk $0xffff, v2;
	v2 =	vld [tilespmem:s23+$0x20];
	v10 =	vcombine.low v6, v4;
	v1 =	vperm.xlane.i2c.b16 v7  }
0x56: {  	v7 =	vld [tilespmem:s23+$0x30];
	v4 =	vcombine.high v6, v4;
	[tilespmem:s19+$0x840 ss:$0x21] =	vst.msk $0xffff, v9;
	v5 =	vperm.xlane.i2c.b16 v5  }
0x57: {  	v9 =	vld [tilespmem:s23+$0x40];
	[tilespmem:s19+$0x841 ss:$0x21] =	vst.msk $0xffff, v12;
	v3 =	vperm.xlane.i2c.b16 v3;
	v12 =	vperm.xlane.i2c.b16 v8  }
0x58: {  	v13 =	vld [tilespmem:s23+$0x50];
	[tilespmem:s19+$0xA50 ss:$0x21] =	vst.msk $0xffff, v10;
	v10 =	vcombine.low v0, v1;
	v11 =	vperm.xlane.i2c.b16 v11  }
0x59: {  	v6 =	vld [tilespmem:s23+$0x60];
	[tilespmem:s19+$0xA51 ss:$0x21] =	vst.msk $0xffff, v4;
	v14 =	vcombine.low v5, v3  }
0x5a: {  	s31 =	smul.u32 $0x4200, s21;
	s21 =	sadd.s32 $0x2, s19;
	v8 =	vperm.xlane.i2c.b16 v2;
	v4 =	vld [tilespmem:s23+$0x70];
	[tilespmem:s19+$0xC60 ss:$0x21] =	vst.msk $0xffff, v10;
	v15 =	vcombine.low v12, v11  }
0x5b: {  	v2 =	vcombine.high v5, v3;
	v5 =	vld [tilespmem:s23+$0x200];
	v10 =	vperm.xlane.i2c.b16 v7;
	[tilespmem:s21+$0xE70 ss:$0x21] =	vst.msk $0xffff, v14  }
0x5c: {  	s22 =	sshrl.u32 s31, $0x2;
	v12 =	vcombine.high v12, v11;
	v3 =	vld [tilespmem:s23+$0x210];
	v7 =	vperm.xlane.i2c.b16 v9;
	[tilespmem:s21+$0x0 ss:$0x21] =	vst.msk $0xffff, v15  }
0x5d: {  	s26 =	simm.s32 $0x200;
	s25 =	simm.s32 $0x2;
	s22 =	sor.u32 $0x2000, s22;
	v9 =	vperm.xlane.i2c.b16 v13;
	[tilespmem:s21+$0xE71 ss:$0x21] =	vst.msk $0xffff, v2;
	v11 =	vcombine.low v8, v10;
	v2 =	vld [tilespmem:s23+$0x220]  }
.LBB1_3:
0x5e: {  	s27 =	sand.u32 $0xC00, s26;
	[tilespmem:s21+$0x1 ss:$0x21] =	vst.msk $0xffff, v12;
	v8 =	vcombine.high v8, v10;
	v6 =	vperm.xlane.i2c.b16 v6;
	v10 =	vld [tilespmem:s23+$0x230];
	s24 =	sadd.s32 $0x80, s24  }
0x5f: {  	s28 =	sand.u32 $0x180, s24;
	s27 =	sadd.s32 s27, s20;
	[tilespmem:s21+$0x210 ss:$0x21] =	vst.msk $0xffff, v11;
	v11 =	vcombine.low v7, v9;
	v4 =	vperm.xlane.i2c.b16 v4;
	v12 =	vld [tilespmem:s23+$0x240]  }
0x60: {  	s25 =	sadd.s32 $0x2, s25;
	v7 =	vcombine.high v7, v9;
	[tilespmem:s21+$0x211 ss:$0x21] =	vst.msk $0xffff, v8;
	v5 =	vperm.xlane.i2c.b16 v5;
	v8 =	vld [tilespmem:s23+$0x250];
	s23 =	sadd.s32 s28, s27  }
0x61: {  	p1 =	slt.u32 s25, $0x1E;
	v9 =	vld [tilespmem:s23+$0x260];
	[tilespmem:s21+$0x420 ss:$0x21] =	vst.msk $0xffff, v11;
	v11 =	vcombine.low v6, v4;
	v3 =	vperm.xlane.i2c.b16 v3  }
0x62: {  	v4 =	vcombine.high v6, v4;
	v13 =	vld [tilespmem:s23+$0x270];
	[tilespmem:s21+$0x421 ss:$0x21] =	vst.msk $0xffff, v7;
	v2 =	vperm.xlane.i2c.b16 v2  }
0x63: {  	v6 =	vld [tilespmem:s23+$0x0];
	[tilespmem:s21+$0x630 ss:$0x21] =	vst.msk $0xffff, v11;
	v7 =	vcombine.low v5, v3;
	v10 =	vperm.xlane.i2c.b16 v10  }
0x64: {  	v3 =	vcombine.high v5, v3;
	v11 =	vld [tilespmem:s23+$0x10];
	[tilespmem:s21+$0x631 ss:$0x21] =	vst.msk $0xffff, v4;
	v4 =	vperm.xlane.i2c.b16 v12  }
0x65: {  	v5 =	vld [tilespmem:s23+$0x20];
	[tilespmem:s21+$0x840 ss:$0x21] =	vst.msk $0xffff, v7;
	v7 =	vcombine.low v2, v10;
	v8 =	vperm.xlane.i2c.b16 v8  }
0x66: {  	v2 =	vcombine.high v2, v10;
	v12 =	vld [tilespmem:s23+$0x30];
	[tilespmem:s21+$0x841 ss:$0x21] =	vst.msk $0xffff, v3;
	v3 =	vcombine.high v0, v1;
	v0 =	vmov v4  }
0x67: {  	v9 =	vperm.xlane.i2c.b16 v9;
	v14 =	vld [tilespmem:s23+$0x40];
	v10 =	vperm.xlane.i2c.b16 v13;
	[tilespmem:s21+$0xA50 ss:$0x21] =	vst.msk $0xffff, v7;
	v1 =	vmov v8  }
0x68: {  	v7 =	vperm.xlane.i2c.b16 v6;
	v13 =	vld [tilespmem:s23+$0x50];
	[tilespmem:s21+$0xA51 ss:$0x21] =	vst.msk $0xffff, v2;
	v2 =	vcombine.low v0, v1  }
.Ltmp3:
0x69: {  	v11 =	vperm.xlane.i2c.b16 v11;
	v6 =	vld [tilespmem:s23+$0x60];
	v15 =	vcombine.low v9, v10;
	[tilespmem:s19+$0xC61 ss:$0x21] =	vst.msk $0xffff, v3;
	s19 =	smov.u32 s21;
	(pc) =	sbr.rel @p1 .LBB1_3-.Ltmp3, $4  }
0x6a: {  	v9 =	vcombine.high v9, v10;
	s21 =	sadd.s32 $0x2, s21;
	v8 =	vperm.xlane.i2c.b16 v5;
	v4 =	vld [tilespmem:s23+$0x70];
	[tilespmem:s19+$0xC60 ss:$0x21] =	vst.msk $0xffff, v2  }
0x6b: {  	v2 =	vcombine.low v7, v11;
	v10 =	vperm.xlane.i2c.b16 v12;
	v5 =	vld [tilespmem:s23+$0x200];
	[tilespmem:s21+$0xE70 ss:$0x21] =	vst.msk $0xffff, v15  }
0x6c: {  	v12 =	vcombine.high v7, v11;
	v7 =	vperm.xlane.i2c.b16 v14;
	v3 =	vld [tilespmem:s23+$0x210];
	[tilespmem:s21+$0xE71 ss:$0x21] =	vst.msk $0xffff, v9  }
0x6d: {  	s26 =	sadd.s32 $0x100, s26;
	[tilespmem:s21+$0x0 ss:$0x21] =	vst.msk $0xffff, v2;
	v11 =	vcombine.low v8, v10;
	v9 =	vperm.xlane.i2c.b16 v13;
	v2 =	vld [tilespmem:s23+$0x220]  }
0x6e: {  	s20 =	sshll.u32 s9, $0x7;
	s24 =	sshll.u32 s10, $0x3  }
0x6f: {  	s28 =	sshll.u32 s10, $0x1;
	p1 =	sgt.s32 s11, $0x19;
	s30 =	sshra.s32 s11, $0x1F;
	v51 =	vld [tilespmem:s23+$0x230]  }
0x70: {  	s26 =	smov.u32 s10;
	s27 =	sshra.s32 s10, $0x1F;
	v53 =	vld [tilespmem:s23+$0x240];
	p2 =	sgt.s32 s9, $0x185A0  }
0x71: {  	v55 =	vld [tilespmem:s23+$0x250];
	s23 =	smov.u32 s9;
	s25 =	sand.u32 $0xFFFFFC00, s20;
	s24 =	sand.u32 $0xFFFFFC00, s24  }
0x72: {  	s20 =	sand.u32 $0x300, s20;
	s29 =	sand.u32 $0x80, s28;
	s24 =	sadd.s32 s24, s25  }
0x73: {  	s31 =	sand.u32 s27, s10;
	s23 =	simm.s32 @!p2 $0x185A0;
	s20 =	sor.u32 s20, s24  }
0x74: {  	s25 =	sand.u32 s30, s11;
	s24 =	smov.u32 s11;
	s20 =	sor.u32 s29, s20  }
0x75: {  	[tilespmem:s21+$0x1 ss:$0x21] =	vst.msk $0xffff, v12;
	v8 =	vcombine.high v8, v10;
	v6 =	vperm.xlane.i2c.b16 v6;
	s24 =	simm.s32 @!p1 $0x19;
	p1 =	sgt.s32 s10, $0x60;
	s20 =	sshrl.u32 s20, $0x7  }
0x76: {  	v0 =	vcombine.high v0, v1;
	[tilespmem:s21+$0x210 ss:$0x21] =	vst.msk $0xffff, v11;
	v52 =	vcombine.low v7, v9;
	s24 =	ssub.s32 s24, s25;
	s26 =	simm.s32 @!p1 $0x60;
	s28 =	smulhi.u32 $0x14F8B59, s20  }
0x77: {  	v4 =	vperm.xlane.i2c.b16 v4;
	v54 =	vcombine.high v7, v9;
	[tilespmem:s21+$0x211 ss:$0x21] =	vst.msk $0xffff, v8;
	s25 =	ssub.s32 s26, s31;
	s29 =	sadd.s32 $0xFFFFFFE7, s24;
	s31 =	sshra.s32 s9, $0x1F  }
0x78: {  	v5 =	vperm.xlane.i2c.b16 v5;
	[tilespmem:s19+$0xC61 ss:$0x21] =	vst.msk $0xffff, v0;
	v3 =	vperm.xlane.i2c.b16 v3;
	s24 =	ssub.s32 $0x1A, s24;
	p1 =	sgt.s32 s29, $0x0;
	s30 =	sadd.s32 $0xFFFFFFA0, s25  }
0x79: {  	[tilespmem:s21+$0x420 ss:$0x21] =	vst.msk $0xffff, v52;
	v56 =	vcombine.low v6, v4;
	v4 =	vcombine.high v6, v4;
	s26 =	sand.u32 s31, s9;
	s25 =	ssub.s32 $0x80, s25;
	s29 =	smul.u32 $0xC3500, s11  }
0x7a: {  	[tilespmem:s21+$0x421 ss:$0x21] =	vst.msk $0xffff, v54;
	v2 =	vperm.xlane.i2c.b16 v2;
	v57 =	vcombine.low v5, v3;
	p2 =	sgt.s32 s30, $0x1F;
	s23 =	ssub.s32 s23, s26;
	s24 =	simm.s32 @p1 $0x0  }
0x7b: {  	[tilespmem:s21+$0x630 ss:$0x21] =	vst.msk $0xffff, v56;
	v58 =	vperm.xlane.i2c.b16 v51;
	v3 =	vcombine.high v5, v3;
	s27 =	sshrl.u32 s28, $0x9;
	s25 =	simm.s32 @p2 $0x0;
	s28 =	sadd.s32 $0xFFFE7A60, s23  }
0x7c: {  	v59 =	vperm.xlane.i2c.b16 v53;
	v61 =	vperm.xlane.i2c.b16 v55;
	[tilespmem:s21+$0x631 ss:$0x21] =	vst.msk $0xffff, v4;
	s23 =	ssub.s32 $0x186A0, s23;
	s24 =	smul.u32 s24, s25;
	p1 =	sgt.s32 s28, $0xFF  }
0x7d: {  	[tilespmem:s21+$0x840 ss:$0x21] =	vst.msk $0xffff, v57;
	v60 =	vcombine.low v2, v58;
	s30 =	smul.u32 $0x186A0, s27;
	s23 =	simm.s32 @p1 $0x0  }
0x7e: {  	s31 =	sshrl.u32 s10, $0x3;
	v62 =	vcombine.low v59, v61;
	[tilespmem:s21+$0x841 ss:$0x21] =	vst.msk $0xffff, v3;
	s23 =	smul.u32 s23, s24  }
.Ltmp4:
0x7f: {  	v2 =	vcombine.high v2, v58;
	[tilespmem:s21+$0xA50 ss:$0x21] =	vst.msk $0xffff, v60;
	s27 =	sand.u32 $0x7, s31;
	s25 =	sadd.s32 s5, s29;
	(pc) =	sbr.rel .LBB1_5-.Ltmp4, $4  }
0x80: {  	v63 =	vcombine.high v59, v61;
	[tilespmem:s21+$0xC60 ss:$0x21] =	vst.msk $0xffff, v62;
	s29 =	sand.u32 $0x7, s10;
	s19 =	ssub.s32 s20, s30;
	s28 =	sadd.s32 s27, s25  }
0x81: {  	[tilespmem:s21+$0xA51 ss:$0x21] =	vst.msk $0xffff, v2;
	s19 =	sshll.u32 s19, $0x3;
	s24 =	sshll.u32 s29, $0x12;
	s23 =	sshrl.u32 s23, $0x1  }
0x82: {  	[tilespmem:s21+$0xC61 ss:$0x21] =	vst.msk $0xffff, v63;
	s19 =	sadd.s32 s19, s28;
	s31 =	sor.u32 $0x20, s24;
	s30 =	sand.u32 $0x3FFFFFFF, s23  }
0x83: {  	[hbm4b:s19+s31] =	stream.strided.scatter [tilespmem:s22], [sflag:$0x2], s30, s8, s31, $0x10;
	[tilespmem:$0x4100] =	vst v63  }
.LBB1_6:
0x84: {  	_ =	sfence.sel $0x180000  }
0x85: {  	s2 =	simm.s32 $0x1;
	[bflag:$0x0] =	sbarrier.arrive $0xFFFF  }
0x86: {  	s31 =	simm.s32 $0x2;
	[sflag:s2] =	ssyncpa.u1 $0x1  }
0x87: {  	[sflag:s31] =	ssyncpa.u1 $0x1  }
0x88: {  	p0 =	sne.s32 s0, $0x0;
	_ =	strace $0x90000047  }
0x89: {  	s0 =	sadd.s32 @!p0 $0x100000, s1;
	[bflag:$0x2] =	sbarrier.arrive $0xFFFF  }
0x8a: {  	[sflag:s0] =	ssyncadd.tile.s32 @!p0 $0x1;
	_ =	shalt  }
.Lfunc_end1:
_tile_overlayer_lowered:
.L_overlay_start_2:
0x8b: {  	(tag) =	ssettag $0x2  }
0x8c: {  	s0 =	rddreg [dreg:$0x0];
	s2 =	stileid.u32  }
0x8d: {  	s1 =	rddreg [dreg:$0x1];
	p0 =	sne.s32 s2, $0x0  }
0x8e: {  	s3 =	rddreg [dreg:$0x2];
	[bflag:$0x3] =	sbarrier.arrive $0xFFFF;
	s2 =	simm.s32 @!p0 $0x1C01  }
0x8f: {  	[timem:s3], [sflag:s2] =	dma.local @!p0 [hbm:s0], s1  }
0x90: {  	s0 =	simm.s32 @!p0 $0x1  }
0x91: {  	_ =	swait.ge @!p0 [sflag:s0], s1  }
0x92: {  	s1 =	ssub.s32 @!p0 $0x0, s1;
	[sflag:s0] =	ssyncset.done @!p0 $0x0  }
0x93: {  	[sflag:s0] =	ssyncadd.s32 @!p0 s1  }
0x94: {  	[bflag:$0x3] =	sbarrier.arrive $0xFFFF  }
0x95: {  	_ =	shalt  }

// kernel: sparse-core-data-format-call.cloned.1.call-start
scs
called_computation_lowered:
.L_overlay_start_0:
0x0: {  	s1 =	sld [smem:$0x3FD9]  }
0x1: {  	s2 =	sld [smem:$0x3FFE];
	_ =	sdelay $0x1  }
0x2: {  	s3 =	srdreg.scid  }
0x3: {  	s0 =	sand.u32 $0x1, s3  }
0x4: {  	s17 =	sshll.u32 s0, $0xA;
	s1 =	sadd.s32 s2, s1  }
0x5: {  	s1 =	sadd.s32 s1, s17  }
0x6: {  	[smem:$0x3FB9] =	sst s1  }
0x7: {  	_ = 	snop  }
0x8: {  	(tm) =	ssettm $0x1  }
0x9: {  	s18 =	sld [smem:$0x3FFB];
	_ =	sdelay $0x3  }
0xa: {  	_ =	strace s18  }
0xb: {  	s1 =	sld [smem:$0x3FFC];
	_ =	sdelay $0x3  }
0xc: {  	_ =	strace s1  }
0xd: {  	s1 =	sld [smem:$0x3FFD];
	_ =	sdelay $0x3  }
0xe: {  	_ =	strace s1  }
0xf: {  	_ =	strace $0x8FFFFFFF  }
0x10: {  	s19 =	sld [smem:$0x3FDB];
	_ =	sdelay $0x1  }
0x11: {  	s20 =	simm.s32 $_scs_section_size  }
0x12: {  	s4 =	simm.s32 $_size__tile_overlayer_lowered;
	s5 =	simm.s32 $_tile_overlayer_lowered  }
0x13: {  	s23 =	simm.s32 $0x1BFF;
	s22 =	sshll.u32 s5, $0x1;
	s1 =	sadd.s32 s20, s19  }
0x14: {  	s6 =	simm.s32 $0x0;
	s21 =	sshll.u32 s4, $0x1;
	s4 =	sadd.s32 s22, s1  }
0x15: {  	[timem:s6], [sflag:s23] =	dma.local [hbm:s4], s21  }
0x16: {  	_ =	swait.ge [sflag:s23], s21  }
0x17: {  	s2 =	ssub.s32 $0x0, s21;
	[sflag:s23] =	ssyncset.done $0x0  }
0x18: {  	[sflag:s23] =	ssyncadd.s32 s2;
	_ =	sdelay $0x1  }
0x19: {  	s24 =	simm.s32 $0x1B8B  }
0x1a: {  	_ =	swait.ge [sflag:s24], $0x1  }
0x1b: {  	[sflag:s24] =	ssyncset.done $0x0  }
0x1c: {  	s26 =	simm.s32 $0x1B8E;
	s25 =	sld [smem:$0x3FFE];
	[sflag:s24] =	ssyncadd.s32 $0xFFFFFFFF  }
0x1d: {  	s27 =	simm.s32 $execute0_lowered;
	[smem:$0x3FD2] =	sst s26  }
0x1e: {  	s4 =	sshll.u32 s27, $0x1;
	_ =	strace $0x80000049;
	[dreg:$0x1] =	wrdreg $0xFFFFFFFF  }
0x1f: {  	s28 =	simm.s32 $_size_execute0_lowered;
	s1 =	sadd.s32 s1, s4;
	[dreg:$0x0] =	wrdreg $0x0  }
0x20: {  	s4 =	sshll.u32 s28, $0x1;
	[dreg:$0x2] =	wrdreg s1  }
0x21: {  	[dreg:$0x3] =	wrdreg s4  }
0x22: {  	[dreg:$0x4] =	wrdreg $0xC0  }
0x23: {  	_ =	task [dreg:s6], $0x5FFFF  }
0x24: {  	[dreg:$0x1] =	wrdreg $0xFFFFFFFF  }
0x25: {  	[dreg:$0x0] =	wrdreg $0x60  }
0x26: {  	[dreg:$0x2] =	wrdreg s25  }
0x27: {  	[dreg:$0x3] =	wrdreg $0x9  }
0x28: {  	_ =	task.clear_ibuf [dreg:s6], $0x4FFFF;
	_ =	strace $0x90000049  }
0x29: {  	s29 =	simm.s32 $0x9;
	_ =	strace $0x8000004B  }
0x2a: {  	_ =	swait.ge [sflag:s29], $0x1  }
0x2b: {  	[sflag:s29] =	ssyncadd.s32 $0xFFFFFFFF  }
0x2c: {  	_ =	strace $0x9000004B  }
0x2d: {  	_ =	sfence  }
0x2e: {  	s30 =	sld [smem:$0x0];
	_ =	sdelay $0x2  }
0x2f: {  	s31 =	sshll.u32 s3, $0xD;
	s3 =	sshrl.u32 s3, $0x2  }
0x30: {  	s2 =	sand.u32 $0x4000, s31;
	s1 =	sadd.s32 s3, s30  }
0x31: {  	s0 =	sor.u32 s2, s0;
	s1 =	sshll.u32 s1, $0x11  }
0x32: {  	s0 =	sor.u32 s1, s0  }
0x33: {  	s0 =	sadd.s32 $0x8F2B, s0  }
0x34: {  	[sflag:s0] =	ssyncadd.remote.s32 $0x1  }
0x35: {  	_ =	sfence.sel $0xFFFF  }
0x36: {  	[dreg:$0x0] =	wrdreg $0xFFFFFFFF;
	(pc) =	sbr.abs _section_cstart, $3  }
0x37: {  	[dreg:$0x1] =	wrdreg $0xFFFFFFFF  }
0x38: {  	_ =	task.clear_ibuf [dreg:s6], $0x2FFFF;
	_ =	strace $0x9FFFFFFF  }
0x39: {  	(tm) =	ssettm $0x7FFFFFFF  }
tec
execute0_lowered:
.L_overlay_start_1:
0x0: {  	(tag) =	ssettag $0x1  }
0x1: {  	s0 =	srdreg.scid  }
0x2: {  	s5 =	rddreg [dreg:$0x0];
	s1 =	stileid.u32;
	s4 =	simm.s32 $0x1  }
0x3: {  	s6 =	simm.s32 $0x2;
	s8 =	simm.s32 $0x0;
	s2 =	sshll.u32 s0, $0x4  }
0x4: {  	s9 =	simm.s32 $0x0;
	s13 =	simm.s32 $0x0;
	s2 =	sand.u32 $0x10, s2  }
.Ltmp0:
0x5: {  	s10 =	simm.s32 $0x0;
	s3 =	sor.u32 s1, s2;
	(pc) =	sbr.rel .LBB1_1-.Ltmp0, $4  }
0x6: {  	s0 =	rddreg [dreg:$0x1];
	_ =	strace $0x8000004A;
	s3 =	sshll.u32 s3, $0x4  }
0x7: {  	s12 =	simm.s32 $0x0;
	[sflag:s4] =	ssyncpa.u1 $0x0;
	s7 =	ssub.s32 $0x9EB0, s3  }
0x8: {  	s2 =	sadd.s32 $0x4F8800, s5;
	[sflag:s6] =	ssyncpa.u1 $0x0;
	s6 =	sshrl.u32 s7, $0x9  }
0x9: {  	s5 =	sadd.s32 $0x2E00, s5;
	s11 =	smov.u32 s3;
	s7 =	sadd.s32 $0x2, s6  }
.LBB1_7:
0xa: {  	s15 =	sshll.u32 s12, $0xF  }
0xb: {  	s15 =	sand.u32 $0x8000, s15  }
0xc: {  	s16 =	sshll.u32 s10, $0x7;
	s15 =	sshrl.u32 s15, $0x1  }
0xd: {  	s16 =	sadd.s32 s5, s16;
	s15 =	sor.u32 $0x8000, s15  }
0xe: {  	[hbm4b:s16+s8] =	stream.linear.scatter [tilespmem:s15], [sflag:$0x2], s14, $0x38;
	[tilespmem:$0x10000] =	vst v63  }
.LBB1_8:
0xf: {  	p0 =	slt.u32 s12, $0x2  }
0x10: {  	p1 =	sgt.s32 @!p0 s13, $0x9EA1  }
0x11: {  	s14 =	smov.u32 s13;
	s15 =	sshra.s32 @!p0 s13, $0x1F;
	p1 =	por !p1, p0  }
0x12: {  	s13 =	sand.u32 @!p0 s15, s13;
	s14 =	simm.s32 @p1 $0x9EA1  }
0x13: {  	s13 =	ssub.s32 @!p0 s14, s13  }
0x14: {  	s13 =	sadd.s32 @!p0 $0xFFFF615F, s13  }
0x15: {  	s14 =	sshll.u32 @!p0 s13, $0xC  }
0x16: {  	p1 =	sgt.s32 @!p0 s13, $0xF;
	s13 =	ssub.s32 @!p0 $0x10000, s14  }
0x17: {  	s15 =	sadd.s32 $0x200, s11;
	p1 =	por !p1, p0;
	s13 =	sshrl.u32 @!p0 s13, $0x2  }
0x18: {  	s13 =	simm.s32 @!p1 $0x0;
	p1 =	sgt.s32 s15, $0x9EB0  }
0x19: {  	s15 =	smov.u32 @p1 s3;
	p1 =	sne.s32 s12, s7  }
.Ltmp1:
0x1a: {  	_ = 	snop;
	(pc) =	sbr.rel @!p1 .LBB1_9-.Ltmp1, $4  }
0x1b: {  	s14 =	simm.s32 @!p0 $0x2  }
0x1c: {  	s9 =	sadd.s32 $0x8000, s9;
	_ =	swait.ge @!p0 [sflag:s14], s13;
	s16 =	ssub.s32 @!p0 $0x0, s13  }
0x1d: {  	s13 =	smov.u32 s10;
	s12 =	sadd.s32 $0x1, s12;
	[sflag:s14] =	ssyncset.done @!p0 $0x0  }
0x1e: {  	s10 =	smov.u32 s11;
	s11 =	smov.u32 s15;
	[sflag:s14] =	ssyncadd.s32 @!p0 s16  }
.LBB1_1:
0x1f: {  	p0 =	sgt.u32 s12, s6  }
0x20: {  	p1 =	sgt.s32 @!p0 s11, $0x9EA1  }
0x21: {  	s14 =	smov.u32 s11;
	s15 =	sshra.s32 @!p0 s11, $0x1F;
	p1 =	por !p1, p0  }
0x22: {  	s15 =	sand.u32 @!p0 s15, s11;
	s14 =	simm.s32 @p1 $0x9EA1  }
0x23: {  	s14 =	ssub.s32 @!p0 s14, s15  }
0x24: {  	s14 =	sadd.s32 @!p0 $0xFFFF615F, s14  }
0x25: {  	s16 =	sshll.u32 @!p0 s11, $0x7;
	s17 =	simm.s32 @!p0 $0x0;
	s15 =	sshll.u32 @!p0 s14, $0xC  }
0x26: {  	p1 =	sgt.s32 @!p0 s14, $0xF;
	s14 =	ssub.s32 @!p0 $0x10000, s15;
	s15 =	sxor.u32 @!p0 $0xFFFFFFFF, s12  }
0x27: {  	p1 =	por !p1, p0;
	s14 =	sshrl.u32 @!p0 s14, $0x2;
	s15 =	sshll.u32 @!p0 s15, $0xE  }
0x28: {  	s16 =	sadd.s32 @!p0 s2, s16;
	s14 =	simm.s32 @!p1 $0x0;
	s15 =	sand.u32 @!p0 $0x4000, s15  }
0x29: {  	[tilespmem:s15], [sflag:$0x1] =	stream.linear.gather @!p0 [hbm4b:s16+s17], s14, $0x38;
	[tilespmem:$0x10000] =	vst v63  }
0x2a: {  	p0 =	seq.s32 s12, $0x0  }
0x2b: {  	p1 =	sge.u32 @!p0 s12, s7  }
0x2c: {  	p0 =	por p0, p1  }
.Ltmp2:
0x2d: {  	_ = 	snop;
	(pc) =	sbr.rel @p0 .LBB1_8-.Ltmp2, $1  }
0x2e: {  	_ =	sdelay $0x3  }
0x2f: {  	p0 =	sgt.s32 s10, $0x9EA1;
	s14 =	smov.u32 s10;
	s15 =	sshra.s32 s10, $0x1F  }
0x30: {  	s14 =	simm.s32 @!p0 $0x9EA1;
	s15 =	sand.u32 s15, s10  }
0x31: {  	s14 =	ssub.s32 s14, s15  }
0x32: {  	s16 =	sadd.s32 $0x10, s10;
	s14 =	sadd.s32 $0xFFFF615F, s14  }
0x33: {  	p1 =	slt.s32 s16, $0x9EB1;
	s30 =	sshll.u32 s14, $0xC  }
0x34: {  	s16 =	simm.s32 @!p1 $0x9EB1;
	s15 =	ssub.s32 $0x10000, s30  }
0x35: {  	p0 =	sgt.s32 s14, $0xF;
	s14 =	sshrl.u32 s15, $0x2;
	s15 =	ssub.s32 s16, s10  }
0x36: {  	s14 =	simm.s32 @p0 $0x0;
	p0 =	slt.s32 s15, $0x1  }
.Ltmp3:
0x37: {  	_ = 	snop;
	(pc) =	sbr.rel @p0 .LBB1_7-.Ltmp3, $4  }
0x38: {  	_ = 	snop  }
0x39: {  	_ =	swait.ge [sflag:s4], s14  }
0x3a: {  	s31 =	ssub.s32 $0x0, s14;
	[sflag:s4] =	ssyncset.done $0x0  }
0x3b: {  	[sflag:s4] =	ssyncadd.s32 s31  }
0x3c: {  	s16 =	sshrl.u32 s9, $0x1  }
0x3d: {  	s17 =	sand.u32 $0x4000, s16  }
0x3e: {  	s18 =	simm.s32 $0x0;
	s16 =	sor.u32 $0x200, s17;
	s17 =	sor.u32 $0x8080, s17  }
.LBB1_4:
0x3f: {  	v0 =	vld [tilespmem:s16+$0xFFFFFE70]  }
0x40: {  	v1 =	vld [tilespmem:s16+$0x70]  }
0x41: {  	v2 =	vld [tilespmem:s16+$0x0]  }
0x42: {  	v3 =	vld [tilespmem:s16+$0xFFFFFE10]  }
0x43: {  	v4 =	vld [tilespmem:s16+$0x10]  }
0x44: {  	v5 =	vld [tilespmem:s16+$0xFFFFFE20]  }
0x45: {  	v7 =	vld [tilespmem:s16+$0x20]  }
0x46: {  	v11 =	vld [tilespmem:s16+$0x30];
	v6 =	vunpack.i.l.s16.s32 v0;
	v8 =	vunpack.i.u.s16.s32 v0;
	v9 =	vunpack.i.u.s16.s32 v1  }
0x47: {  	v10 =	vunpack.i.l.s16.s32 v1;
	v0 =	vunpack.i.u.s16.s32 v2;
	v1 =	vunpack.i.l.s16.s32 v2;
	v2 =	vld [tilespmem:s16+$0xFFFFFE30]  }
0x48: {  	v8 =	vpack.i.b32.b16 v9, v8;
	v9 =	vunpack.i.u.s16.s32 v3;
	v3 =	vunpack.i.l.s16.s32 v3  }
0x49: {  	v12 =	vld [tilespmem:s16+$0xFFFFFE40];
	v6 =	vpack.i.b32.b16 v10, v6;
	[tilespmem:s17+$0x70] =	vst v8;
	v8 =	vunpack.i.u.s16.s32 v4;
	v4 =	vunpack.i.l.s16.s32 v4  }
0x4a: {  	v13 =	vld [tilespmem:s16+$0x40];
	v10 =	vunpack.i.u.s16.s32 v5;
	v5 =	vunpack.i.l.s16.s32 v5;
	[tilespmem:s17+$0xFFFFFFF0] =	vst v6;
	v3 =	vpack.i.b32.b16 v4, v3  }
0x4b: {  	v6 =	vunpack.i.l.s16.s32 v7;
	v4 =	vld [tilespmem:s16+$0xFFFFFE50];
	[tilespmem:s17+$0xFFFFFF90] =	vst v3;
	v3 =	vpack.i.b32.b16 v8, v9;
	v8 =	vunpack.i.u.s16.s32 v7  }
0x4c: {  	v7 =	vunpack.i.l.s16.s32 v11;
	[tilespmem:s17+$0x10] =	vst v3;
	v3 =	vpack.i.b32.b16 v6, v5;
	v9 =	vunpack.i.u.s16.s32 v2;
	v6 =	vld [tilespmem:s16+$0x50]  }
0x4d: {  	v5 =	vunpack.i.l.s16.s32 v2;
	v2 =	vld [tilespmem:s16+$0xFFFFFE60];
	[tilespmem:s17+$0xFFFFFFA0] =	vst v3;
	v3 =	vpack.i.b32.b16 v8, v10;
	v10 =	vunpack.i.u.s16.s32 v11  }
0x4e: {  	s21 =	simm.s32 $0x0;
	v11 =	vpack.i.b32.b16 v7, v5;
	v7 =	vunpack.i.u.s16.s32 v12;
	v8 =	vunpack.i.l.s16.s32 v12;
	[tilespmem:s17+$0x20] =	vst v3;
	v3 =	vld [tilespmem:s16+$0x60]  }
0x4f: {  	s22 =	sadd.s32 $0x80, s16;
	s20 =	smov.u32 s17;
	s19 =	smov.u32 s17;
	v5 =	vld [tilespmem:s16+$0xFFFFFE00];
	[tilespmem:s17+$0xFFFFFFB0] =	vst v11;
	v10 =	vpack.i.b32.b16 v10, v9;
	v9 =	vunpack.i.u.s16.s32 v13;
	v11 =	vunpack.i.l.s16.s32 v13  }
.LBB1_5:
0x50: {  	v12 =	vld [tilespmem:s22+$0xFFFFFE70];
	[tilespmem:s20+$0x30] =	vst v10;
	v8 =	vpack.i.b32.b16 v11, v8;
	v10 =	vunpack.i.u.s16.s32 v4;
	v4 =	vunpack.i.l.s16.s32 v4  }
0x51: {  	s21 =	sadd.s32 $0x2, s21;
	v7 =	vpack.i.b32.b16 v9, v7;
	v11 =	vld [tilespmem:s22+$0x70];
	[tilespmem:s20+$0xFFFFFFC0] =	vst v8;
	v8 =	vunpack.i.u.s16.s32 v6;
	v6 =	vunpack.i.l.s16.s32 v6  }
0x52: {  	p0 =	slt.u32 s21, $0x6;
	v9 =	vld [tilespmem:s22+$0x0];
	[tilespmem:s20+$0x40] =	vst v7;
	v4 =	vpack.i.b32.b16 v6, v4;
	v6 =	vunpack.i.u.s16.s32 v2;
	v2 =	vunpack.i.l.s16.s32 v2  }
0x53: {  	v7 =	vld [tilespmem:s22+$0xFFFFFE10];
	[tilespmem:s20+$0xFFFFFFD0] =	vst v4;
	v4 =	vpack.i.b32.b16 v8, v10;
	v8 =	vunpack.i.u.s16.s32 v3;
	v3 =	vunpack.i.l.s16.s32 v3  }
0x54: {  	v10 =	vld [tilespmem:s22+$0x10];
	v13 =	vunpack.i.u.s16.s32 v5;
	v5 =	vunpack.i.l.s16.s32 v5;
	[tilespmem:s20+$0x50] =	vst v4;
	v2 =	vpack.i.b32.b16 v3, v2  }
0x55: {  	v3 =	vld [tilespmem:s22+$0xFFFFFE20];
	v4 =	vunpack.i.l.s16.s32 v12;
	v1 =	vpack.i.b32.b16 v1, v5;
	v5 =	vpack.i.b32.b16 v0, v13;
	[tilespmem:s20+$0xFFFFFFE0] =	vst v2  }
0x56: {  	v12 =	vunpack.i.u.s16.s32 v12;
	v2 =	vld [tilespmem:s22+$0x20];
	v13 =	vunpack.i.u.s16.s32 v11;
	v11 =	vunpack.i.l.s16.s32 v11;
	[tilespmem:s20+$0xFFFFFF80] =	vst v1  }
0x57: {  	s20 =	sadd.s32 $0x100, s20;
	v0 =	vunpack.i.u.s16.s32 v9;
	v1 =	vunpack.i.l.s16.s32 v9;
	v9 =	vld [tilespmem:s22+$0xFFFFFE30];
	v12 =	vpack.i.b32.b16 v13, v12;
	[tilespmem:s19+$0x0] =	vst v5  }
0x58: {  	v6 =	vpack.i.b32.b16 v8, v6;
	v5 =	vunpack.i.u.s16.s32 v7;
	v7 =	vunpack.i.l.s16.s32 v7;
	v13 =	vld [tilespmem:s22+$0x30];
	[tilespmem:s20+$0x70] =	vst v12  }
0x59: {  	v4 =	vpack.i.b32.b16 v11, v4;
	v8 =	vunpack.i.u.s16.s32 v10;
	v10 =	vunpack.i.l.s16.s32 v10;
	v12 =	vld [tilespmem:s22+$0xFFFFFE40];
	[tilespmem:s19+$0x60] =	vst v6;
	s19 =	smov.u32 s20  }
0x5a: {  	v6 =	vpack.i.b32.b16 v10, v7;
	v7 =	vunpack.i.u.s16.s32 v3;
	v3 =	vunpack.i.l.s16.s32 v3;
	v11 =	vld [tilespmem:s22+$0x40];
	[tilespmem:s20+$0xFFFFFFF0] =	vst v4  }
.Ltmp4:
0x5b: {  	v5 =	vpack.i.b32.b16 v8, v5;
	[tilespmem:s20+$0xFFFFFF90] =	vst v6;
	v8 =	vunpack.i.u.s16.s32 v2;
	v2 =	vunpack.i.l.s16.s32 v2;
	v4 =	vld [tilespmem:s22+$0xFFFFFE50];
	(pc) =	sbr.rel @p0 .LBB1_5-.Ltmp4, $4  }
0x5c: {  	[tilespmem:s20+$0x10] =	vst v5;
	v2 =	vpack.i.b32.b16 v2, v3;
	v10 =	vunpack.i.u.s16.s32 v9;
	v3 =	vunpack.i.l.s16.s32 v9;
	v6 =	vld [tilespmem:s22+$0x50]  }
0x5d: {  	v5 =	vpack.i.b32.b16 v8, v7;
	[tilespmem:s20+$0xFFFFFFA0] =	vst v2;
	v9 =	vunpack.i.u.s16.s32 v13;
	v7 =	vunpack.i.l.s16.s32 v13;
	v2 =	vld [tilespmem:s22+$0xFFFFFE60]  }
0x5e: {  	[tilespmem:s20+$0x20] =	vst v5;
	v13 =	vpack.i.b32.b16 v7, v3;
	v7 =	vunpack.i.u.s16.s32 v12;
	v8 =	vunpack.i.l.s16.s32 v12;
	v3 =	vld [tilespmem:s22+$0x60]  }
0x5f: {  	v10 =	vpack.i.b32.b16 v9, v10;
	v5 =	vld [tilespmem:s22+$0xFFFFFE00];
	[tilespmem:s20+$0xFFFFFFB0] =	vst v13;
	v9 =	vunpack.i.u.s16.s32 v11;
	v11 =	vunpack.i.l.s16.s32 v11;
	s22 =	sadd.s32 $0x80, s22  }
0x60: {  	[tilespmem:s20+$0x30] =	vst v10;
	v8 =	vpack.i.b32.b16 v11, v8  }
0x61: {  	v51 =	vunpack.i.l.s16.s32 v4;
	v7 =	vpack.i.b32.b16 v9, v7;
	[tilespmem:s20+$0xFFFFFFC0] =	vst v8;
	v52 =	vunpack.i.l.s16.s32 v6  }
0x62: {  	v53 =	vunpack.i.u.s16.s32 v4;
	s18 =	sadd.s32 $0x1, s18;
	v54 =	vunpack.i.u.s16.s32 v6;
	[tilespmem:s20+$0x40] =	vst v7;
	v55 =	vpack.i.b32.b16 v52, v51  }
0x63: {  	p0 =	sne.s32 s18, s15;
	v56 =	vunpack.i.l.s16.s32 v2;
	v4 =	vpack.i.b32.b16 v54, v53;
	[tilespmem:s20+$0xFFFFFFD0] =	vst v55;
	v57 =	vunpack.i.l.s16.s32 v3  }
.Ltmp5:
0x64: {  	[tilespmem:s20+$0x50] =	vst v4;
	v58 =	vunpack.i.l.s16.s32 v5;
	v59 =	vpack.i.b32.b16 v57, v56;
	(pc) =	sbr.rel @p0 .LBB1_4-.Ltmp5, $4  }
.Ltmp6:
0x65: {  	v61 =	vunpack.i.u.s16.s32 v2;
	v62 =	vunpack.i.u.s16.s32 v3;
	v1 =	vpack.i.b32.b16 v1, v58;
	[tilespmem:s20+$0xFFFFFFE0] =	vst v59;
	(pc) =	sbr.rel @!p0 .LBB1_7-.Ltmp6, $4  }
0x66: {  	v60 =	vunpack.i.u.s16.s32 v5;
	v63 =	vpack.i.b32.b16 v62, v61;
	[tilespmem:s20+$0xFFFFFF80] =	vst v1  }
0x67: {  	v0 =	vpack.i.b32.b16 v0, v60;
	[tilespmem:s19+$0x60] =	vst v63  }
0x68: {  	s16 =	sadd.s32 $0x400, s16;
	s17 =	sadd.s32 $0x400, s17;
	[tilespmem:s19+$0x0] =	vst v0  }
0x69: {  	_ = 	snop  }
.LBB1_9:
0x6a: {  	_ =	sfence.sel $0x180000  }
0x6b: {  	s2 =	simm.s32 $0x1;
	[bflag:$0x0] =	sbarrier.arrive $0xFFFF  }
0x6c: {  	s31 =	simm.s32 $0x2;
	[sflag:s2] =	ssyncpa.u1 $0x1  }
0x6d: {  	[sflag:s31] =	ssyncpa.u1 $0x1  }
0x6e: {  	p0 =	sne.s32 s1, $0x0;
	_ =	strace $0x9000004A  }
0x6f: {  	s0 =	sadd.s32 @!p0 $0x100000, s0;
	[bflag:$0x2] =	sbarrier.arrive $0xFFFF  }
0x70: {  	[sflag:s0] =	ssyncadd.tile.s32 @!p0 $0x1;
	_ =	shalt  }
.Lfunc_end1:
_tile_overlayer_lowered:
.L_overlay_start_2:
0x71: {  	(tag) =	ssettag $0x2  }
0x72: {  	s0 =	rddreg [dreg:$0x0];
	s2 =	stileid.u32  }
0x73: {  	s1 =	rddreg [dreg:$0x1];
	p0 =	sne.s32 s2, $0x0  }
0x74: {  	s3 =	rddreg [dreg:$0x2];
	[bflag:$0x3] =	sbarrier.arrive $0xFFFF;
	s2 =	simm.s32 @!p0 $0x1C01  }
0x75: {  	[timem:s3], [sflag:s2] =	dma.local @!p0 [hbm:s0], s1  }
0x76: {  	s0 =	simm.s32 @!p0 $0x1  }
0x77: {  	_ =	swait.ge @!p0 [sflag:s0], s1  }
0x78: {  	s1 =	ssub.s32 @!p0 $0x0, s1;
	[sflag:s0] =	ssyncset.done @!p0 $0x0  }
0x79: {  	[sflag:s0] =	ssyncadd.s32 @!p0 s1  }
0x7a: {  	[bflag:$0x3] =	sbarrier.arrive $0xFFFF  }
0x7b: {  	_ =	shalt  }

</sc_bundles>
